<compile_context>
chip_gen: v7x
topology: tpu7x:2x2x1
jax: 0.10.2.dev20260603
libtpu: 0.0.44.dev20260713+nightly
codegen_flags: <defaults>
</compile_context>

<pallas_src>
import functools

import jax
import jax.numpy as jnp
from jax import lax
from jax.experimental import pallas as pl
from jax.experimental.pallas import tpu as pltpu
from jax.experimental.pallas import tpu_sc as plsc

IN_F = 1024
HID_F = 4096
OUT_F = 1024
NTOK = 8192
T = 512
S = NTOK + T
NB = S // T
NW = 32
TPW = NTOK // NW
XCH = 32
NXC = TPW // XCH

_MESH = plsc.VectorSubcoreMesh(core_axis_name="c", subcore_axis_name="s")


@functools.partial(
    pl.kernel,
    mesh=_MESH,
    out_type=jax.ShapeDtypeStruct((S, IN_F), jnp.float32),
    scratch_types=[
        pltpu.VMEM((NXC, XCH), jnp.int32),
        pltpu.VMEM((XCH, IN_F), jnp.float32),
        pltpu.VMEM((XCH, IN_F), jnp.float32),
        pltpu.VMEM((XCH, IN_F), jnp.float32),
        pltpu.SemaphoreType.DMA,
        pltpu.SemaphoreType.DMA,
        pltpu.SemaphoreType.DMA,
        pltpu.SemaphoreType.DMA,
        pltpu.SemaphoreType.DMA,
        pltpu.SemaphoreType.DMA,
    ],
)
def _dispatch(x_hbm, dst2_hbm, xs_hbm, dst2d, buf0, buf1, buf2,
              lsem0, lsem1, lsem2, ssem0, ssem1, ssem2):
    wid = lax.axis_index("s") * 2 + lax.axis_index("c")
    tok0 = wid * TPW
    pltpu.sync_copy(dst2_hbm.at[pl.ds(wid * NXC, NXC)], dst2d)
    bufs = (buf0, buf1, buf2)
    lsems = (lsem0, lsem1, lsem2)
    ssems = (ssem0, ssem1, ssem2)

    def start_load(c, b):
        pltpu.async_copy(
            x_hbm.at[pl.ds(tok0 + c * XCH, XCH)], bufs[b], lsems[b]
        )

    def wait_load(c, b):
        pltpu.make_async_copy(
            x_hbm.at[pl.ds(tok0 + c * XCH, XCH)], bufs[b], lsems[b]
        ).wait()

    def start_scatter(c, b):
        pltpu.async_copy(bufs[b], xs_hbm.at[dst2d.at[c]], ssems[b])

    def wait_scatter(c, b):
        pltpu.make_async_copy(
            bufs[b], xs_hbm.at[dst2d.at[c]], ssems[b]
        ).wait()

    start_load(0, 0)
    start_load(1, 1)
    for c in range(NXC):
        b = c % 3
        if c + 2 < NXC:
            if c >= 1:
                wait_scatter(c - 1, (c - 1) % 3)
            start_load(c + 2, (c + 2) % 3)
        wait_load(c, b)
        start_scatter(c, b)
    for c in range(max(NXC - 3, 0), NXC):
        wait_scatter(c, c % 3)


ACH = 32
NAC = TPW // ACH


@functools.partial(
    pl.kernel,
    mesh=_MESH,
    out_type=jax.ShapeDtypeStruct((NTOK, OUT_F), jnp.float32),
    scratch_types=[
        pltpu.VMEM((TPW,), jnp.int32),
        pltpu.VMEM((ACH, OUT_F), jnp.float32),
        pltpu.VMEM((ACH, OUT_F), jnp.float32),
        pltpu.VMEM((ACH, OUT_F), jnp.float32),
        pltpu.SemaphoreType.DMA,
        pltpu.SemaphoreType.DMA,
        pltpu.SemaphoreType.DMA,
    ],
)
def _assemble(ys_hbm, dst_hbm, out_hbm, idx_v, buf0, buf1, buf2,
              sem0, sem1, sem2):
    wid = lax.axis_index("s") * 2 + lax.axis_index("c")
    base = wid * TPW
    pltpu.sync_copy(dst_hbm.at[pl.ds(base, TPW)], idx_v)
    bufs = (buf0, buf1, buf2)
    sems = (sem0, sem1, sem2)

    def start(c, b):
        pltpu.async_copy(
            ys_hbm.at[idx_v.at[pl.ds(c * ACH, ACH)]], bufs[b], sems[b]
        )

    def drain(c, b):
        pltpu.make_async_copy(
            ys_hbm.at[idx_v.at[pl.ds(c * ACH, ACH)]], bufs[b], sems[b]
        ).wait()
        pltpu.sync_copy(bufs[b], out_hbm.at[pl.ds(base + c * ACH, ACH)])

    start(0, 0)
    start(1, 1)
    for c in range(NAC):
        if c + 2 < NAC:
            start(c + 2, (c + 2) % 3)
        drain(c, c % 3)


def _mlp_body(eid_ref, x_ref, w1_ref, w2_ref, o_ref):
    del eid_ref
    xb = x_ref[...].astype(jnp.bfloat16)
    h = lax.dot_general(
        xb, w1_ref[0], (((1,), (1,)), ((), ())),
        preferred_element_type=jnp.float32,
    )
    h = (0.5 * h * (1.0 + lax.erf(h * 0.7071067811865476))).astype(jnp.bfloat16)
    o = lax.dot_general(
        h, w2_ref[0], (((1,), (1,)), ((), ())),
        preferred_element_type=jnp.float32,
    )
    o_ref[...] = o


def _mlp_blocks(eid, xs, w1, w2):
    grid_spec = pltpu.PrefetchScalarGridSpec(
        num_scalar_prefetch=1,
        grid=(NB,),
        in_specs=[
            pl.BlockSpec((T, IN_F), lambda i, e: (i, 0)),
            pl.BlockSpec((1, HID_F, IN_F), lambda i, e: (e[i], 0, 0)),
            pl.BlockSpec((1, OUT_F, HID_F), lambda i, e: (e[i], 0, 0)),
        ],
        out_specs=pl.BlockSpec((T, OUT_F), lambda i, e: (i, 0)),
    )
    return pl.pallas_call(
        _mlp_body,
        grid_spec=grid_spec,
        out_shape=jax.ShapeDtypeStruct((S, OUT_F), jnp.float32),
    )(eid, xs, w1, w2)


def kernel(x, token_types, W1s, b1s, W2s, b2s, W1l, b1l, W2l, b2l):
    Bv, Nv, C = x.shape
    x_flat = x.reshape(NTOK, C)
    tt = token_types.reshape(NTOK).astype(jnp.int32)

    m0 = (tt == 0).astype(jnp.int32)
    c0 = jnp.cumsum(m0)
    n0 = c0[NTOK - 1]
    n0p = ((n0 + T - 1) // T) * T
    i1 = jnp.arange(1, NTOK + 1, dtype=jnp.int32)
    dst = jnp.where(m0 == 1, c0 - 1, n0p + i1 - c0 - 1)
    eid = (jnp.arange(NB, dtype=jnp.int32) * T >= n0p).astype(jnp.int32)

    w1 = jnp.stack([W1s, W1l]).astype(jnp.bfloat16)
    w2 = jnp.stack([W2s, W2l]).astype(jnp.bfloat16)

    xs = _dispatch(x_flat, dst.reshape(NW * NXC, XCH))
    ys = _mlp_blocks(eid, xs, w1, w2)
    out = _assemble(ys, dst)
    return out.reshape(Bv, Nv, C)

# --- scband reference (transcript-rebuilt; emitter-appended) ---
"""Pipeline reference for scband-mo-emlp-27685359190687 (READ-ONLY COPY).

The authoritative reference and input builder live on the scoring server;
editing this copy changes nothing except your own understanding.
"""

import jax, jax.numpy as jnp
import numpy as np

IN_F = 1024
HID_F = 4096
OUT_F = 1024
B = 2
N = 4096

def setup_inputs(seed: int = 0) -> dict:
    key = jax.random.key(seed)
    ks = jax.random.split(key, 10)
    x = jax.random.normal(ks[0], (B, N, IN_F), dtype=jnp.float32)
    token_types = jax.random.randint(ks[1], (B, N), 0, 2, dtype=jnp.int64)
    W1s = jax.random.normal(ks[2], (HID_F, IN_F), dtype=jnp.float32) * 0.02
    b1s = jnp.zeros((HID_F,), dtype=jnp.float32)
    W2s = jax.random.normal(ks[3], (OUT_F, HID_F), dtype=jnp.float32) * 0.02
    b2s = jnp.zeros((OUT_F,), dtype=jnp.float32)
    W1l = jax.random.normal(ks[4], (HID_F, IN_F), dtype=jnp.float32) * 0.02
    b1l = jnp.zeros((HID_F,), dtype=jnp.float32)
    W2l = jax.random.normal(ks[5], (OUT_F, HID_F), dtype=jnp.float32) * 0.02
    b2l = jnp.zeros((OUT_F,), dtype=jnp.float32)
    return {"x": x, "token_types": token_types, "W1s": W1s, "b1s": b1s, "W2s": W2s, "b2s": b2s, "W1l": W1l, "b1l": b1l, "W2l": W2l, "b2l": b2l}

def _expert(xf, W1, b1, W2, b2):
    h = xf @ W1.T + b1
    h = jax.nn.gelu(h, approximate=False)
    return h @ W2.T + b2

def reference(x, token_types, W1s, b1s, W2s, b2s, W1l, b1l, W2l, b2l):
    Bv, Nv, C = x.shape
    x_flat = x.reshape(-1, C)
    tt = token_types.reshape(-1)
    mask_s = (tt == 0)
    mask_l = (tt == 1)
    # dropout is identity in eval mode
    out_s = _expert(x_flat, W1s, b1s, W2s, b2s)
    out_l = _expert(x_flat, W1l, b1l, W2l, b2l)
    out = jnp.where(mask_s[:, None], out_s, jnp.where(mask_l[:, None], out_l, jnp.zeros_like(out_l)))
    return out.reshape(Bv, Nv, C)

if __name__ == "__main__":
    import jax
    _d = setup_inputs()
    print(jax.jit(kernel)(*tuple(_d.values())))

</pallas_src>

<mosaic_0001>
#map = affine_map<(d0, d1) -> (0, 0)>
module attributes {stable_mosaic.version = 14 : i64} {
  func.func @_dispatch(%arg0: i32, %arg1: i32, %arg2: memref<8192x1024xf32, #tpu.memory_space<hbm>>, %arg3: memref<256x32xi32, #tpu.memory_space<hbm>>, %arg4: memref<8704x1024xf32, #tpu.memory_space<hbm>>, %arg5: memref<8x32xi32, #tpu.memory_space<vmem>>, %arg6: memref<32x1024xf32, #tpu.memory_space<vmem>>, %arg7: memref<32x1024xf32, #tpu.memory_space<vmem>>, %arg8: memref<32x1024xf32, #tpu.memory_space<vmem>>, %arg9: memref<!tpu.dma_semaphore, #tpu.memory_space<semaphore_mem>>, %arg10: memref<!tpu.dma_semaphore, #tpu.memory_space<semaphore_mem>>, %arg11: memref<!tpu.dma_semaphore, #tpu.memory_space<semaphore_mem>>, %arg12: memref<!tpu.dma_semaphore, #tpu.memory_space<semaphore_mem>>, %arg13: memref<!tpu.dma_semaphore, #tpu.memory_space<semaphore_mem>>, %arg14: memref<!tpu.dma_semaphore, #tpu.memory_space<semaphore_mem>>) attributes {dimension_semantics = [#tpu.dimension_semantics<core_parallel>, #tpu.dimension_semantics<subcore_parallel>], iteration_bounds = array<i64: 2, 16>, scalar_prefetch = 0 : i64, scratch_operands = 10 : i64, tpu.core_type = #tpu.core_type<sc_vector_subcore>, window_params = [{transform_indices = #map}, {transform_indices = #map}, {transform_indices = #map}]} {
    %mul3A = arith.constant 2 : i32
    %mul3A_0 = arith.muli %arg1, %mul3A : i32
    %add3A = arith.addi %mul3A_0, %arg0 : i32
    %mul3A_1 = arith.constant 256 : i32
    %mul3A_2 = arith.muli %add3A, %mul3A_1 : i32
    %mul3A_3 = arith.constant 8 : i32
    %mul3A_4 = arith.muli %add3A, %mul3A_3 : i32
    "tpu.region"() ({
      %run_scoped3A = tpu.sem_alloc : memref<!tpu.dma_semaphore, #tpu.memory_space<semaphore_mem>>
      %dma_start3A_211 = arith.constant 0 : i32
      %dma_start3A_212 = tpu.memref_slice %arg3[%mul3A_4, %dma_start3A_211] : memref<256x32xi32, #tpu.memory_space<hbm>> -> memref<8x32xi32, #tpu.memory_space<hbm>>
      %dma_start3A_213 = arith.constant 0 : i32
      %dma_start3A_214 = tpu.memref_slice %arg3[%mul3A_4, %dma_start3A_213] : memref<256x32xi32, #tpu.memory_space<hbm>> -> memref<8x32xi32, #tpu.memory_space<hbm>>
      tpu.enqueue_dma source(%dma_start3A_214 : memref<8x32xi32, #tpu.memory_space<hbm>>) target(%arg5 : memref<8x32xi32, #tpu.memory_space<vmem>>) target_semaphore(%run_scoped3A : memref<!tpu.dma_semaphore, #tpu.memory_space<semaphore_mem>>)
      %dma_wait3A_215 = arith.constant 0 : i32
      %dma_wait3A_216 = tpu.memref_slice %arg3[%mul3A_4, %dma_wait3A_215] : memref<256x32xi32, #tpu.memory_space<hbm>> -> memref<8x32xi32, #tpu.memory_space<hbm>>
      %dma_wait3A_217 = arith.constant 0 : i32
      %dma_wait3A_218 = tpu.memref_slice %arg3[%mul3A_4, %dma_wait3A_217] : memref<256x32xi32, #tpu.memory_space<hbm>> -> memref<8x32xi32, #tpu.memory_space<hbm>>
      tpu.wait_dma2 semaphore(%run_scoped3A : memref<!tpu.dma_semaphore, #tpu.memory_space<semaphore_mem>>) src(%dma_wait3A_218 : memref<8x32xi32, #tpu.memory_space<hbm>>) dst(%arg5 : memref<8x32xi32, #tpu.memory_space<vmem>>)
      tpu.yield
    }) : () -> ()
    %add3A_5 = arith.constant 0 : i32
    %add3A_6 = arith.addi %mul3A_2, %add3A_5 : i32
    %dma_start3A = arith.constant 0 : i32
    %dma_start3A_7 = tpu.memref_slice %arg2[%add3A_6, %dma_start3A] : memref<8192x1024xf32, #tpu.memory_space<hbm>> -> memref<32x1024xf32, #tpu.memory_space<hbm>>
    %dma_start3A_8 = arith.constant 0 : i32
    %dma_start3A_9 = tpu.memref_slice %arg2[%add3A_6, %dma_start3A_8] : memref<8192x1024xf32, #tpu.memory_space<hbm>> -> memref<32x1024xf32, #tpu.memory_space<hbm>>
    tpu.enqueue_dma source(%dma_start3A_9 : memref<32x1024xf32, #tpu.memory_space<hbm>>) target(%arg6 : memref<32x1024xf32, #tpu.memory_space<vmem>>) target_semaphore(%arg9 : memref<!tpu.dma_semaphore, #tpu.memory_space<semaphore_mem>>)
    %add3A_10 = arith.constant 32 : i32
    %add3A_11 = arith.addi %mul3A_2, %add3A_10 : i32
    %dma_start3A_12 = arith.constant 0 : i32
    %dma_start3A_13 = tpu.memref_slice %arg2[%add3A_11, %dma_start3A_12] : memref<8192x1024xf32, #tpu.memory_space<hbm>> -> memref<32x1024xf32, #tpu.memory_space<hbm>>
    %dma_start3A_14 = arith.constant 0 : i32
    %dma_start3A_15 = tpu.memref_slice %arg2[%add3A_11, %dma_start3A_14] : memref<8192x1024xf32, #tpu.memory_space<hbm>> -> memref<32x1024xf32, #tpu.memory_space<hbm>>
    tpu.enqueue_dma source(%dma_start3A_15 : memref<32x1024xf32, #tpu.memory_space<hbm>>) target(%arg7 : memref<32x1024xf32, #tpu.memory_space<vmem>>) target_semaphore(%arg10 : memref<!tpu.dma_semaphore, #tpu.memory_space<semaphore_mem>>)
    %add3A_16 = arith.constant 64 : i32
    %add3A_17 = arith.addi %mul3A_2, %add3A_16 : i32
    %dma_start3A_18 = arith.constant 0 : i32
    %dma_start3A_19 = tpu.memref_slice %arg2[%add3A_17, %dma_start3A_18] : memref<8192x1024xf32, #tpu.memory_space<hbm>> -> memref<32x1024xf32, #tpu.memory_space<hbm>>
    %dma_start3A_20 = arith.constant 0 : i32
    %dma_start3A_21 = tpu.memref_slice %arg2[%add3A_17, %dma_start3A_20] : memref<8192x1024xf32, #tpu.memory_space<hbm>> -> memref<32x1024xf32, #tpu.memory_space<hbm>>
    tpu.enqueue_dma source(%dma_start3A_21 : memref<32x1024xf32, #tpu.memory_space<hbm>>) target(%arg8 : memref<32x1024xf32, #tpu.memory_space<vmem>>) target_semaphore(%arg11 : memref<!tpu.dma_semaphore, #tpu.memory_space<semaphore_mem>>)
    %add3A_22 = arith.constant 0 : i32
    %add3A_23 = arith.addi %mul3A_2, %add3A_22 : i32
    %dma_wait3A = arith.constant 0 : i32
    %dma_wait3A_24 = tpu.memref_slice %arg2[%add3A_23, %dma_wait3A] : memref<8192x1024xf32, #tpu.memory_space<hbm>> -> memref<32x1024xf32, #tpu.memory_space<hbm>>
    %dma_wait3A_25 = arith.constant 0 : i32
    %dma_wait3A_26 = tpu.memref_slice %arg2[%add3A_23, %dma_wait3A_25] : memref<8192x1024xf32, #tpu.memory_space<hbm>> -> memref<32x1024xf32, #tpu.memory_space<hbm>>
    tpu.wait_dma2 semaphore(%arg9 : memref<!tpu.dma_semaphore, #tpu.memory_space<semaphore_mem>>) src(%dma_wait3A_26 : memref<32x1024xf32, #tpu.memory_space<hbm>>) dst(%arg6 : memref<32x1024xf32, #tpu.memory_space<vmem>>)
    %dma_start3A_27 = arith.constant 0 : i32
    %dma_start3A_28 = arith.constant 0 : i32
    %dma_start3A_29 = tpu.memref_slice %arg5[%dma_start3A_27, %dma_start3A_28] : memref<8x32xi32, #tpu.memory_space<vmem>> -> memref<1x32xi32, #tpu.memory_space<vmem>>
    %dma_start3A_30 = tpu.memref_squeeze %dma_start3A_29 : memref<1x32xi32, #tpu.memory_space<vmem>> -> memref<32xi32, #tpu.memory_space<vmem>>
    %dma_start3A_31 = arith.constant 0 : i32
    %dma_start3A_32 = arith.constant 0 : i32
    %dma_start3A_33 = tpu.memref_slice %arg4[%dma_start3A_31, %dma_start3A_32] : memref<8704x1024xf32, #tpu.memory_space<hbm>> -> memref<8704x1024xf32, #tpu.memory_space<hbm>>
    tpu.enqueue_indirect_dma source(%arg6 : memref<32x1024xf32, #tpu.memory_space<vmem>>) target(%dma_start3A_33 : memref<8704x1024xf32, #tpu.memory_space<hbm>>) offsets(%dma_start3A_30 : memref<32xi32, #tpu.memory_space<vmem>>) semaphore(%arg12 : memref<!tpu.dma_semaphore, #tpu.memory_space<semaphore_mem>>)
    %dma_wait3A_34 = arith.constant 0 : i32
    %dma_wait3A_35 = arith.constant 0 : i32
    %dma_wait3A_36 = tpu.memref_slice %arg5[%dma_wait3A_34, %dma_wait3A_35] : memref<8x32xi32, #tpu.memory_space<vmem>> -> memref<1x32xi32, #tpu.memory_space<vmem>>
    %dma_wait3A_37 = tpu.memref_squeeze %dma_wait3A_36 : memref<1x32xi32, #tpu.memory_space<vmem>> -> memref<32xi32, #tpu.memory_space<vmem>>
    %dma_wait3A_38 = arith.constant 0 : i32
    %dma_wait3A_39 = arith.constant 0 : i32
    %dma_wait3A_40 = tpu.memref_slice %arg4[%dma_wait3A_38, %dma_wait3A_39] : memref<8704x1024xf32, #tpu.memory_space<hbm>> -> memref<8704x1024xf32, #tpu.memory_space<hbm>>
    tpu.wait_indirect_dma semaphore(%arg12 : memref<!tpu.dma_semaphore, #tpu.memory_space<semaphore_mem>>) src(%arg6 : memref<32x1024xf32, #tpu.memory_space<vmem>>) dst(%dma_wait3A_40 : memref<8704x1024xf32, #tpu.memory_space<hbm>>)
    %add3A_41 = arith.constant 96 : i32
    %add3A_42 = arith.addi %mul3A_2, %add3A_41 : i32
    %dma_start3A_43 = arith.constant 0 : i32
    %dma_start3A_44 = tpu.memref_slice %arg2[%add3A_42, %dma_start3A_43] : memref<8192x1024xf32, #tpu.memory_space<hbm>> -> memref<32x1024xf32, #tpu.memory_space<hbm>>
    %dma_start3A_45 = arith.constant 0 : i32
    %dma_start3A_46 = tpu.memref_slice %arg2[%add3A_42, %dma_start3A_45] : memref<8192x1024xf32, #tpu.memory_space<hbm>> -> memref<32x1024xf32, #tpu.memory_space<hbm>>
    tpu.enqueue_dma source(%dma_start3A_46 : memref<32x1024xf32, #tpu.memory_space<hbm>>) target(%arg6 : memref<32x1024xf32, #tpu.memory_space<vmem>>) target_semaphore(%arg9 : memref<!tpu.dma_semaphore, #tpu.memory_space<semaphore_mem>>)
    %add3A_47 = arith.constant 32 : i32
    %add3A_48 = arith.addi %mul3A_2, %add3A_47 : i32
    %dma_wait3A_49 = arith.constant 0 : i32
    %dma_wait3A_50 = tpu.memref_slice %arg2[%add3A_48, %dma_wait3A_49] : memref<8192x1024xf32, #tpu.memory_space<hbm>> -> memref<32x1024xf32, #tpu.memory_space<hbm>>
    %dma_wait3A_51 = arith.constant 0 : i32
    %dma_wait3A_52 = tpu.memref_slice %arg2[%add3A_48, %dma_wait3A_51] : memref<8192x1024xf32, #tpu.memory_space<hbm>> -> memref<32x1024xf32, #tpu.memory_space<hbm>>
    tpu.wait_dma2 semaphore(%arg10 : memref<!tpu.dma_semaphore, #tpu.memory_space<semaphore_mem>>) src(%dma_wait3A_52 : memref<32x1024xf32, #tpu.memory_space<hbm>>) dst(%arg7 : memref<32x1024xf32, #tpu.memory_space<vmem>>)
    %dma_start3A_53 = arith.constant 1 : i32
    %dma_start3A_54 = arith.constant 0 : i32
    %dma_start3A_55 = tpu.memref_slice %arg5[%dma_start3A_53, %dma_start3A_54] : memref<8x32xi32, #tpu.memory_space<vmem>> -> memref<1x32xi32, #tpu.memory_space<vmem>>
    %dma_start3A_56 = tpu.memref_squeeze %dma_start3A_55 : memref<1x32xi32, #tpu.memory_space<vmem>> -> memref<32xi32, #tpu.memory_space<vmem>>
    %dma_start3A_57 = arith.constant 0 : i32
    %dma_start3A_58 = arith.constant 0 : i32
    %dma_start3A_59 = tpu.memref_slice %arg4[%dma_start3A_57, %dma_start3A_58] : memref<8704x1024xf32, #tpu.memory_space<hbm>> -> memref<8704x1024xf32, #tpu.memory_space<hbm>>
    tpu.enqueue_indirect_dma source(%arg7 : memref<32x1024xf32, #tpu.memory_space<vmem>>) target(%dma_start3A_59 : memref<8704x1024xf32, #tpu.memory_space<hbm>>) offsets(%dma_start3A_56 : memref<32xi32, #tpu.memory_space<vmem>>) semaphore(%arg13 : memref<!tpu.dma_semaphore, #tpu.memory_space<semaphore_mem>>)
    %dma_wait3A_60 = arith.constant 1 : i32
    %dma_wait3A_61 = arith.constant 0 : i32
    %dma_wait3A_62 = tpu.memref_slice %arg5[%dma_wait3A_60, %dma_wait3A_61] : memref<8x32xi32, #tpu.memory_space<vmem>> -> memref<1x32xi32, #tpu.memory_space<vmem>>
    %dma_wait3A_63 = tpu.memref_squeeze %dma_wait3A_62 : memref<1x32xi32, #tpu.memory_space<vmem>> -> memref<32xi32, #tpu.memory_space<vmem>>
    %dma_wait3A_64 = arith.constant 0 : i32
    %dma_wait3A_65 = arith.constant 0 : i32
    %dma_wait3A_66 = tpu.memref_slice %arg4[%dma_wait3A_64, %dma_wait3A_65] : memref<8704x1024xf32, #tpu.memory_space<hbm>> -> memref<8704x1024xf32, #tpu.memory_space<hbm>>
    tpu.wait_indirect_dma semaphore(%arg13 : memref<!tpu.dma_semaphore, #tpu.memory_space<semaphore_mem>>) src(%arg7 : memref<32x1024xf32, #tpu.memory_space<vmem>>) dst(%dma_wait3A_66 : memref<8704x1024xf32, #tpu.memory_space<hbm>>)
    %add3A_67 = arith.constant 128 : i32
    %add3A_68 = arith.addi %mul3A_2, %add3A_67 : i32
    %dma_start3A_69 = arith.constant 0 : i32
    %dma_start3A_70 = tpu.memref_slice %arg2[%add3A_68, %dma_start3A_69] : memref<8192x1024xf32, #tpu.memory_space<hbm>> -> memref<32x1024xf32, #tpu.memory_space<hbm>>
    %dma_start3A_71 = arith.constant 0 : i32
    %dma_start3A_72 = tpu.memref_slice %arg2[%add3A_68, %dma_start3A_71] : memref<8192x1024xf32, #tpu.memory_space<hbm>> -> memref<32x1024xf32, #tpu.memory_space<hbm>>
    tpu.enqueue_dma source(%dma_start3A_72 : memref<32x1024xf32, #tpu.memory_space<hbm>>) target(%arg7 : memref<32x1024xf32, #tpu.memory_space<vmem>>) target_semaphore(%arg10 : memref<!tpu.dma_semaphore, #tpu.memory_space<semaphore_mem>>)
    %add3A_73 = arith.constant 64 : i32
    %add3A_74 = arith.addi %mul3A_2, %add3A_73 : i32
    %dma_wait3A_75 = arith.constant 0 : i32
    %dma_wait3A_76 = tpu.memref_slice %arg2[%add3A_74, %dma_wait3A_75] : memref<8192x1024xf32, #tpu.memory_space<hbm>> -> memref<32x1024xf32, #tpu.memory_space<hbm>>
    %dma_wait3A_77 = arith.constant 0 : i32
    %dma_wait3A_78 = tpu.memref_slice %arg2[%add3A_74, %dma_wait3A_77] : memref<8192x1024xf32, #tpu.memory_space<hbm>> -> memref<32x1024xf32, #tpu.memory_space<hbm>>
    tpu.wait_dma2 semaphore(%arg11 : memref<!tpu.dma_semaphore, #tpu.memory_space<semaphore_mem>>) src(%dma_wait3A_78 : memref<32x1024xf32, #tpu.memory_space<hbm>>) dst(%arg8 : memref<32x1024xf32, #tpu.memory_space<vmem>>)
    %dma_start3A_79 = arith.constant 2 : i32
    %dma_start3A_80 = arith.constant 0 : i32
    %dma_start3A_81 = tpu.memref_slice %arg5[%dma_start3A_79, %dma_start3A_80] : memref<8x32xi32, #tpu.memory_space<vmem>> -> memref<1x32xi32, #tpu.memory_space<vmem>>
    %dma_start3A_82 = tpu.memref_squeeze %dma_start3A_81 : memref<1x32xi32, #tpu.memory_space<vmem>> -> memref<32xi32, #tpu.memory_space<vmem>>
    %dma_start3A_83 = arith.constant 0 : i32
    %dma_start3A_84 = arith.constant 0 : i32
    %dma_start3A_85 = tpu.memref_slice %arg4[%dma_start3A_83, %dma_start3A_84] : memref<8704x1024xf32, #tpu.memory_space<hbm>> -> memref<8704x1024xf32, #tpu.memory_space<hbm>>
    tpu.enqueue_indirect_dma source(%arg8 : memref<32x1024xf32, #tpu.memory_space<vmem>>) target(%dma_start3A_85 : memref<8704x1024xf32, #tpu.memory_space<hbm>>) offsets(%dma_start3A_82 : memref<32xi32, #tpu.memory_space<vmem>>) semaphore(%arg14 : memref<!tpu.dma_semaphore, #tpu.memory_space<semaphore_mem>>)
    %dma_wait3A_86 = arith.constant 2 : i32
    %dma_wait3A_87 = arith.constant 0 : i32
    %dma_wait3A_88 = tpu.memref_slice %arg5[%dma_wait3A_86, %dma_wait3A_87] : memref<8x32xi32, #tpu.memory_space<vmem>> -> memref<1x32xi32, #tpu.memory_space<vmem>>
    %dma_wait3A_89 = tpu.memref_squeeze %dma_wait3A_88 : memref<1x32xi32, #tpu.memory_space<vmem>> -> memref<32xi32, #tpu.memory_space<vmem>>
    %dma_wait3A_90 = arith.constant 0 : i32
    %dma_wait3A_91 = arith.constant 0 : i32
    %dma_wait3A_92 = tpu.memref_slice %arg4[%dma_wait3A_90, %dma_wait3A_91] : memref<8704x1024xf32, #tpu.memory_space<hbm>> -> memref<8704x1024xf32, #tpu.memory_space<hbm>>
    tpu.wait_indirect_dma semaphore(%arg14 : memref<!tpu.dma_semaphore, #tpu.memory_space<semaphore_mem>>) src(%arg8 : memref<32x1024xf32, #tpu.memory_space<vmem>>) dst(%dma_wait3A_92 : memref<8704x1024xf32, #tpu.memory_space<hbm>>)
    %add3A_93 = arith.constant 160 : i32
    %add3A_94 = arith.addi %mul3A_2, %add3A_93 : i32
    %dma_start3A_95 = arith.constant 0 : i32
    %dma_start3A_96 = tpu.memref_slice %arg2[%add3A_94, %dma_start3A_95] : memref<8192x1024xf32, #tpu.memory_space<hbm>> -> memref<32x1024xf32, #tpu.memory_space<hbm>>
    %dma_start3A_97 = arith.constant 0 : i32
    %dma_start3A_98 = tpu.memref_slice %arg2[%add3A_94, %dma_start3A_97] : memref<8192x1024xf32, #tpu.memory_space<hbm>> -> memref<32x1024xf32, #tpu.memory_space<hbm>>
    tpu.enqueue_dma source(%dma_start3A_98 : memref<32x1024xf32, #tpu.memory_space<hbm>>) target(%arg8 : memref<32x1024xf32, #tpu.memory_space<vmem>>) target_semaphore(%arg11 : memref<!tpu.dma_semaphore, #tpu.memory_space<semaphore_mem>>)
    %add3A_99 = arith.constant 96 : i32
    %add3A_100 = arith.addi %mul3A_2, %add3A_99 : i32
    %dma_wait3A_101 = arith.constant 0 : i32
    %dma_wait3A_102 = tpu.memref_slice %arg2[%add3A_100, %dma_wait3A_101] : memref<8192x1024xf32, #tpu.memory_space<hbm>> -> memref<32x1024xf32, #tpu.memory_space<hbm>>
    %dma_wait3A_103 = arith.constant 0 : i32
    %dma_wait3A_104 = tpu.memref_slice %arg2[%add3A_100, %dma_wait3A_103] : memref<8192x1024xf32, #tpu.memory_space<hbm>> -> memref<32x1024xf32, #tpu.memory_space<hbm>>
    tpu.wait_dma2 semaphore(%arg9 : memref<!tpu.dma_semaphore, #tpu.memory_space<semaphore_mem>>) src(%dma_wait3A_104 : memref<32x1024xf32, #tpu.memory_space<hbm>>) dst(%arg6 : memref<32x1024xf32, #tpu.memory_space<vmem>>)
    %dma_start3A_105 = arith.constant 3 : i32
    %dma_start3A_106 = arith.constant 0 : i32
    %dma_start3A_107 = tpu.memref_slice %arg5[%dma_start3A_105, %dma_start3A_106] : memref<8x32xi32, #tpu.memory_space<vmem>> -> memref<1x32xi32, #tpu.memory_space<vmem>>
    %dma_start3A_108 = tpu.memref_squeeze %dma_start3A_107 : memref<1x32xi32, #tpu.memory_space<vmem>> -> memref<32xi32, #tpu.memory_space<vmem>>
    %dma_start3A_109 = arith.constant 0 : i32
    %dma_start3A_110 = arith.constant 0 : i32
    %dma_start3A_111 = tpu.memref_slice %arg4[%dma_start3A_109, %dma_start3A_110] : memref<8704x1024xf32, #tpu.memory_space<hbm>> -> memref<8704x1024xf32, #tpu.memory_space<hbm>>
    tpu.enqueue_indirect_dma source(%arg6 : memref<32x1024xf32, #tpu.memory_space<vmem>>) target(%dma_start3A_111 : memref<8704x1024xf32, #tpu.memory_space<hbm>>) offsets(%dma_start3A_108 : memref<32xi32, #tpu.memory_space<vmem>>) semaphore(%arg12 : memref<!tpu.dma_semaphore, #tpu.memory_space<semaphore_mem>>)
    %dma_wait3A_112 = arith.constant 3 : i32
    %dma_wait3A_113 = arith.constant 0 : i32
    %dma_wait3A_114 = tpu.memref_slice %arg5[%dma_wait3A_112, %dma_wait3A_113] : memref<8x32xi32, #tpu.memory_space<vmem>> -> memref<1x32xi32, #tpu.memory_space<vmem>>
    %dma_wait3A_115 = tpu.memref_squeeze %dma_wait3A_114 : memref<1x32xi32, #tpu.memory_space<vmem>> -> memref<32xi32, #tpu.memory_space<vmem>>
    %dma_wait3A_116 = arith.constant 0 : i32
    %dma_wait3A_117 = arith.constant 0 : i32
    %dma_wait3A_118 = tpu.memref_slice %arg4[%dma_wait3A_116, %dma_wait3A_117] : memref<8704x1024xf32, #tpu.memory_space<hbm>> -> memref<8704x1024xf32, #tpu.memory_space<hbm>>
    tpu.wait_indirect_dma semaphore(%arg12 : memref<!tpu.dma_semaphore, #tpu.memory_space<semaphore_mem>>) src(%arg6 : memref<32x1024xf32, #tpu.memory_space<vmem>>) dst(%dma_wait3A_118 : memref<8704x1024xf32, #tpu.memory_space<hbm>>)
    %add3A_119 = arith.constant 192 : i32
    %add3A_120 = arith.addi %mul3A_2, %add3A_119 : i32
    %dma_start3A_121 = arith.constant 0 : i32
    %dma_start3A_122 = tpu.memref_slice %arg2[%add3A_120, %dma_start3A_121] : memref<8192x1024xf32, #tpu.memory_space<hbm>> -> memref<32x1024xf32, #tpu.memory_space<hbm>>
    %dma_start3A_123 = arith.constant 0 : i32
    %dma_start3A_124 = tpu.memref_slice %arg2[%add3A_120, %dma_start3A_123] : memref<8192x1024xf32, #tpu.memory_space<hbm>> -> memref<32x1024xf32, #tpu.memory_space<hbm>>
    tpu.enqueue_dma source(%dma_start3A_124 : memref<32x1024xf32, #tpu.memory_space<hbm>>) target(%arg6 : memref<32x1024xf32, #tpu.memory_space<vmem>>) target_semaphore(%arg9 : memref<!tpu.dma_semaphore, #tpu.memory_space<semaphore_mem>>)
    %add3A_125 = arith.constant 128 : i32
    %add3A_126 = arith.addi %mul3A_2, %add3A_125 : i32
    %dma_wait3A_127 = arith.constant 0 : i32
    %dma_wait3A_128 = tpu.memref_slice %arg2[%add3A_126, %dma_wait3A_127] : memref<8192x1024xf32, #tpu.memory_space<hbm>> -> memref<32x1024xf32, #tpu.memory_space<hbm>>
    %dma_wait3A_129 = arith.constant 0 : i32
    %dma_wait3A_130 = tpu.memref_slice %arg2[%add3A_126, %dma_wait3A_129] : memref<8192x1024xf32, #tpu.memory_space<hbm>> -> memref<32x1024xf32, #tpu.memory_space<hbm>>
    tpu.wait_dma2 semaphore(%arg10 : memref<!tpu.dma_semaphore, #tpu.memory_space<semaphore_mem>>) src(%dma_wait3A_130 : memref<32x1024xf32, #tpu.memory_space<hbm>>) dst(%arg7 : memref<32x1024xf32, #tpu.memory_space<vmem>>)
    %dma_start3A_131 = arith.constant 4 : i32
    %dma_start3A_132 = arith.constant 0 : i32
    %dma_start3A_133 = tpu.memref_slice %arg5[%dma_start3A_131, %dma_start3A_132] : memref<8x32xi32, #tpu.memory_space<vmem>> -> memref<1x32xi32, #tpu.memory_space<vmem>>
    %dma_start3A_134 = tpu.memref_squeeze %dma_start3A_133 : memref<1x32xi32, #tpu.memory_space<vmem>> -> memref<32xi32, #tpu.memory_space<vmem>>
    %dma_start3A_135 = arith.constant 0 : i32
    %dma_start3A_136 = arith.constant 0 : i32
    %dma_start3A_137 = tpu.memref_slice %arg4[%dma_start3A_135, %dma_start3A_136] : memref<8704x1024xf32, #tpu.memory_space<hbm>> -> memref<8704x1024xf32, #tpu.memory_space<hbm>>
    tpu.enqueue_indirect_dma source(%arg7 : memref<32x1024xf32, #tpu.memory_space<vmem>>) target(%dma_start3A_137 : memref<8704x1024xf32, #tpu.memory_space<hbm>>) offsets(%dma_start3A_134 : memref<32xi32, #tpu.memory_space<vmem>>) semaphore(%arg13 : memref<!tpu.dma_semaphore, #tpu.memory_space<semaphore_mem>>)
    %dma_wait3A_138 = arith.constant 4 : i32
    %dma_wait3A_139 = arith.constant 0 : i32
    %dma_wait3A_140 = tpu.memref_slice %arg5[%dma_wait3A_138, %dma_wait3A_139] : memref<8x32xi32, #tpu.memory_space<vmem>> -> memref<1x32xi32, #tpu.memory_space<vmem>>
    %dma_wait3A_141 = tpu.memref_squeeze %dma_wait3A_140 : memref<1x32xi32, #tpu.memory_space<vmem>> -> memref<32xi32, #tpu.memory_space<vmem>>
    %dma_wait3A_142 = arith.constant 0 : i32
    %dma_wait3A_143 = arith.constant 0 : i32
    %dma_wait3A_144 = tpu.memref_slice %arg4[%dma_wait3A_142, %dma_wait3A_143] : memref<8704x1024xf32, #tpu.memory_space<hbm>> -> memref<8704x1024xf32, #tpu.memory_space<hbm>>
    tpu.wait_indirect_dma semaphore(%arg13 : memref<!tpu.dma_semaphore, #tpu.memory_space<semaphore_mem>>) src(%arg7 : memref<32x1024xf32, #tpu.memory_space<vmem>>) dst(%dma_wait3A_144 : memref<8704x1024xf32, #tpu.memory_space<hbm>>)
    %add3A_145 = arith.constant 224 : i32
    %add3A_146 = arith.addi %mul3A_2, %add3A_145 : i32
    %dma_start3A_147 = arith.constant 0 : i32
    %dma_start3A_148 = tpu.memref_slice %arg2[%add3A_146, %dma_start3A_147] : memref<8192x1024xf32, #tpu.memory_space<hbm>> -> memref<32x1024xf32, #tpu.memory_space<hbm>>
    %dma_start3A_149 = arith.constant 0 : i32
    %dma_start3A_150 = tpu.memref_slice %arg2[%add3A_146, %dma_start3A_149] : memref<8192x1024xf32, #tpu.memory_space<hbm>> -> memref<32x1024xf32, #tpu.memory_space<hbm>>
    tpu.enqueue_dma source(%dma_start3A_150 : memref<32x1024xf32, #tpu.memory_space<hbm>>) target(%arg7 : memref<32x1024xf32, #tpu.memory_space<vmem>>) target_semaphore(%arg10 : memref<!tpu.dma_semaphore, #tpu.memory_space<semaphore_mem>>)
    %add3A_151 = arith.constant 160 : i32
    %add3A_152 = arith.addi %mul3A_2, %add3A_151 : i32
    %dma_wait3A_153 = arith.constant 0 : i32
    %dma_wait3A_154 = tpu.memref_slice %arg2[%add3A_152, %dma_wait3A_153] : memref<8192x1024xf32, #tpu.memory_space<hbm>> -> memref<32x1024xf32, #tpu.memory_space<hbm>>
    %dma_wait3A_155 = arith.constant 0 : i32
    %dma_wait3A_156 = tpu.memref_slice %arg2[%add3A_152, %dma_wait3A_155] : memref<8192x1024xf32, #tpu.memory_space<hbm>> -> memref<32x1024xf32, #tpu.memory_space<hbm>>
    tpu.wait_dma2 semaphore(%arg11 : memref<!tpu.dma_semaphore, #tpu.memory_space<semaphore_mem>>) src(%dma_wait3A_156 : memref<32x1024xf32, #tpu.memory_space<hbm>>) dst(%arg8 : memref<32x1024xf32, #tpu.memory_space<vmem>>)
    %dma_start3A_157 = arith.constant 5 : i32
    %dma_start3A_158 = arith.constant 0 : i32
    %dma_start3A_159 = tpu.memref_slice %arg5[%dma_start3A_157, %dma_start3A_158] : memref<8x32xi32, #tpu.memory_space<vmem>> -> memref<1x32xi32, #tpu.memory_space<vmem>>
    %dma_start3A_160 = tpu.memref_squeeze %dma_start3A_159 : memref<1x32xi32, #tpu.memory_space<vmem>> -> memref<32xi32, #tpu.memory_space<vmem>>
    %dma_start3A_161 = arith.constant 0 : i32
    %dma_start3A_162 = arith.constant 0 : i32
    %dma_start3A_163 = tpu.memref_slice %arg4[%dma_start3A_161, %dma_start3A_162] : memref<8704x1024xf32, #tpu.memory_space<hbm>> -> memref<8704x1024xf32, #tpu.memory_space<hbm>>
    tpu.enqueue_indirect_dma source(%arg8 : memref<32x1024xf32, #tpu.memory_space<vmem>>) target(%dma_start3A_163 : memref<8704x1024xf32, #tpu.memory_space<hbm>>) offsets(%dma_start3A_160 : memref<32xi32, #tpu.memory_space<vmem>>) semaphore(%arg14 : memref<!tpu.dma_semaphore, #tpu.memory_space<semaphore_mem>>)
    %add3A_164 = arith.constant 192 : i32
    %add3A_165 = arith.addi %mul3A_2, %add3A_164 : i32
    %dma_wait3A_166 = arith.constant 0 : i32
    %dma_wait3A_167 = tpu.memref_slice %arg2[%add3A_165, %dma_wait3A_166] : memref<8192x1024xf32, #tpu.memory_space<hbm>> -> memref<32x1024xf32, #tpu.memory_space<hbm>>
    %dma_wait3A_168 = arith.constant 0 : i32
    %dma_wait3A_169 = tpu.memref_slice %arg2[%add3A_165, %dma_wait3A_168] : memref<8192x1024xf32, #tpu.memory_space<hbm>> -> memref<32x1024xf32, #tpu.memory_space<hbm>>
    tpu.wait_dma2 semaphore(%arg9 : memref<!tpu.dma_semaphore, #tpu.memory_space<semaphore_mem>>) src(%dma_wait3A_169 : memref<32x1024xf32, #tpu.memory_space<hbm>>) dst(%arg6 : memref<32x1024xf32, #tpu.memory_space<vmem>>)
    %dma_start3A_170 = arith.constant 6 : i32
    %dma_start3A_171 = arith.constant 0 : i32
    %dma_start3A_172 = tpu.memref_slice %arg5[%dma_start3A_170, %dma_start3A_171] : memref<8x32xi32, #tpu.memory_space<vmem>> -> memref<1x32xi32, #tpu.memory_space<vmem>>
    %dma_start3A_173 = tpu.memref_squeeze %dma_start3A_172 : memref<1x32xi32, #tpu.memory_space<vmem>> -> memref<32xi32, #tpu.memory_space<vmem>>
    %dma_start3A_174 = arith.constant 0 : i32
    %dma_start3A_175 = arith.constant 0 : i32
    %dma_start3A_176 = tpu.memref_slice %arg4[%dma_start3A_174, %dma_start3A_175] : memref<8704x1024xf32, #tpu.memory_space<hbm>> -> memref<8704x1024xf32, #tpu.memory_space<hbm>>
    tpu.enqueue_indirect_dma source(%arg6 : memref<32x1024xf32, #tpu.memory_space<vmem>>) target(%dma_start3A_176 : memref<8704x1024xf32, #tpu.memory_space<hbm>>) offsets(%dma_start3A_173 : memref<32xi32, #tpu.memory_space<vmem>>) semaphore(%arg12 : memref<!tpu.dma_semaphore, #tpu.memory_space<semaphore_mem>>)
    %add3A_177 = arith.constant 224 : i32
    %add3A_178 = arith.addi %mul3A_2, %add3A_177 : i32
    %dma_wait3A_179 = arith.constant 0 : i32
    %dma_wait3A_180 = tpu.memref_slice %arg2[%add3A_178, %dma_wait3A_179] : memref<8192x1024xf32, #tpu.memory_space<hbm>> -> memref<32x1024xf32, #tpu.memory_space<hbm>>
    %dma_wait3A_181 = arith.constant 0 : i32
    %dma_wait3A_182 = tpu.memref_slice %arg2[%add3A_178, %dma_wait3A_181] : memref<8192x1024xf32, #tpu.memory_space<hbm>> -> memref<32x1024xf32, #tpu.memory_space<hbm>>
    tpu.wait_dma2 semaphore(%arg10 : memref<!tpu.dma_semaphore, #tpu.memory_space<semaphore_mem>>) src(%dma_wait3A_182 : memref<32x1024xf32, #tpu.memory_space<hbm>>) dst(%arg7 : memref<32x1024xf32, #tpu.memory_space<vmem>>)
    %dma_start3A_183 = arith.constant 7 : i32
    %dma_start3A_184 = arith.constant 0 : i32
    %dma_start3A_185 = tpu.memref_slice %arg5[%dma_start3A_183, %dma_start3A_184] : memref<8x32xi32, #tpu.memory_space<vmem>> -> memref<1x32xi32, #tpu.memory_space<vmem>>
    %dma_start3A_186 = tpu.memref_squeeze %dma_start3A_185 : memref<1x32xi32, #tpu.memory_space<vmem>> -> memref<32xi32, #tpu.memory_space<vmem>>
    %dma_start3A_187 = arith.constant 0 : i32
    %dma_start3A_188 = arith.constant 0 : i32
    %dma_start3A_189 = tpu.memref_slice %arg4[%dma_start3A_187, %dma_start3A_188] : memref<8704x1024xf32, #tpu.memory_space<hbm>> -> memref<8704x1024xf32, #tpu.memory_space<hbm>>
    tpu.enqueue_indirect_dma source(%arg7 : memref<32x1024xf32, #tpu.memory_space<vmem>>) target(%dma_start3A_189 : memref<8704x1024xf32, #tpu.memory_space<hbm>>) offsets(%dma_start3A_186 : memref<32xi32, #tpu.memory_space<vmem>>) semaphore(%arg13 : memref<!tpu.dma_semaphore, #tpu.memory_space<semaphore_mem>>)
    %dma_wait3A_190 = arith.constant 5 : i32
    %dma_wait3A_191 = arith.constant 0 : i32
    %dma_wait3A_192 = tpu.memref_slice %arg5[%dma_wait3A_190, %dma_wait3A_191] : memref<8x32xi32, #tpu.memory_space<vmem>> -> memref<1x32xi32, #tpu.memory_space<vmem>>
    %dma_wait3A_193 = tpu.memref_squeeze %dma_wait3A_192 : memref<1x32xi32, #tpu.memory_space<vmem>> -> memref<32xi32, #tpu.memory_space<vmem>>
    %dma_wait3A_194 = arith.constant 0 : i32
    %dma_wait3A_195 = arith.constant 0 : i32
    %dma_wait3A_196 = tpu.memref_slice %arg4[%dma_wait3A_194, %dma_wait3A_195] : memref<8704x1024xf32, #tpu.memory_space<hbm>> -> memref<8704x1024xf32, #tpu.memory_space<hbm>>
    tpu.wait_indirect_dma semaphore(%arg14 : memref<!tpu.dma_semaphore, #tpu.memory_space<semaphore_mem>>) src(%arg8 : memref<32x1024xf32, #tpu.memory_space<vmem>>) dst(%dma_wait3A_196 : memref<8704x1024xf32, #tpu.memory_space<hbm>>)
    %dma_wait3A_197 = arith.constant 6 : i32
    %dma_wait3A_198 = arith.constant 0 : i32
    %dma_wait3A_199 = tpu.memref_slice %arg5[%dma_wait3A_197, %dma_wait3A_198] : memref<8x32xi32, #tpu.memory_space<vmem>> -> memref<1x32xi32, #tpu.memory_space<vmem>>
    %dma_wait3A_200 = tpu.memref_squeeze %dma_wait3A_199 : memref<1x32xi32, #tpu.memory_space<vmem>> -> memref<32xi32, #tpu.memory_space<vmem>>
    %dma_wait3A_201 = arith.constant 0 : i32
    %dma_wait3A_202 = arith.constant 0 : i32
    %dma_wait3A_203 = tpu.memref_slice %arg4[%dma_wait3A_201, %dma_wait3A_202] : memref<8704x1024xf32, #tpu.memory_space<hbm>> -> memref<8704x1024xf32, #tpu.memory_space<hbm>>
    tpu.wait_indirect_dma semaphore(%arg12 : memref<!tpu.dma_semaphore, #tpu.memory_space<semaphore_mem>>) src(%arg6 : memref<32x1024xf32, #tpu.memory_space<vmem>>) dst(%dma_wait3A_203 : memref<8704x1024xf32, #tpu.memory_space<hbm>>)
    %dma_wait3A_204 = arith.constant 7 : i32
    %dma_wait3A_205 = arith.constant 0 : i32
    %dma_wait3A_206 = tpu.memref_slice %arg5[%dma_wait3A_204, %dma_wait3A_205] : memref<8x32xi32, #tpu.memory_space<vmem>> -> memref<1x32xi32, #tpu.memory_space<vmem>>
    %dma_wait3A_207 = tpu.memref_squeeze %dma_wait3A_206 : memref<1x32xi32, #tpu.memory_space<vmem>> -> memref<32xi32, #tpu.memory_space<vmem>>
    %dma_wait3A_208 = arith.constant 0 : i32
    %dma_wait3A_209 = arith.constant 0 : i32
    %dma_wait3A_210 = tpu.memref_slice %arg4[%dma_wait3A_208, %dma_wait3A_209] : memref<8704x1024xf32, #tpu.memory_space<hbm>> -> memref<8704x1024xf32, #tpu.memory_space<hbm>>
    tpu.wait_indirect_dma semaphore(%arg13 : memref<!tpu.dma_semaphore, #tpu.memory_space<semaphore_mem>>) src(%arg7 : memref<32x1024xf32, #tpu.memory_space<vmem>>) dst(%dma_wait3A_210 : memref<8704x1024xf32, #tpu.memory_space<hbm>>)
    return
  }
}

#map = affine_map<(d0, d1) -> (0, 0)>
#map1 = affine_map<(d0, d1) -> (0)>
module attributes {stable_mosaic.version = 14 : i64} {
  func.func @_assemble(%arg0: i32, %arg1: i32, %arg2: memref<8704x1024xf32, #tpu.memory_space<hbm>>, %arg3: memref<8192xi32, #tpu.memory_space<hbm>>, %arg4: memref<8192x1024xf32, #tpu.memory_space<hbm>>, %arg5: memref<256xi32, #tpu.memory_space<vmem>>, %arg6: memref<32x1024xf32, #tpu.memory_space<vmem>>, %arg7: memref<32x1024xf32, #tpu.memory_space<vmem>>, %arg8: memref<32x1024xf32, #tpu.memory_space<vmem>>, %arg9: memref<!tpu.dma_semaphore, #tpu.memory_space<semaphore_mem>>, %arg10: memref<!tpu.dma_semaphore, #tpu.memory_space<semaphore_mem>>, %arg11: memref<!tpu.dma_semaphore, #tpu.memory_space<semaphore_mem>>) attributes {dimension_semantics = [#tpu.dimension_semantics<core_parallel>, #tpu.dimension_semantics<subcore_parallel>], iteration_bounds = array<i64: 2, 16>, scalar_prefetch = 0 : i64, scratch_operands = 7 : i64, tpu.core_type = #tpu.core_type<sc_vector_subcore>, window_params = [{transform_indices = #map}, {transform_indices = #map1}, {transform_indices = #map}]} {
    %mul3A = arith.constant 2 : i32
    %mul3A_0 = arith.muli %arg1, %mul3A : i32
    %add3A = arith.addi %mul3A_0, %arg0 : i32
    %mul3A_1 = arith.constant 256 : i32
    %mul3A_2 = arith.muli %add3A, %mul3A_1 : i32
    "tpu.region"() ({
      %run_scoped3A = tpu.sem_alloc : memref<!tpu.dma_semaphore, #tpu.memory_space<semaphore_mem>>
      %dma_start3A_97 = tpu.memref_slice %arg3[%mul3A_2] : memref<8192xi32, #tpu.memory_space<hbm>> -> memref<256xi32, #tpu.memory_space<hbm>>
      %dma_start3A_98 = tpu.memref_slice %arg3[%mul3A_2] : memref<8192xi32, #tpu.memory_space<hbm>> -> memref<256xi32, #tpu.memory_space<hbm>>
      tpu.enqueue_dma source(%dma_start3A_98 : memref<256xi32, #tpu.memory_space<hbm>>) target(%arg5 : memref<256xi32, #tpu.memory_space<vmem>>) target_semaphore(%run_scoped3A : memref<!tpu.dma_semaphore, #tpu.memory_space<semaphore_mem>>)
      %dma_wait3A_99 = tpu.memref_slice %arg3[%mul3A_2] : memref<8192xi32, #tpu.memory_space<hbm>> -> memref<256xi32, #tpu.memory_space<hbm>>
      %dma_wait3A_100 = tpu.memref_slice %arg3[%mul3A_2] : memref<8192xi32, #tpu.memory_space<hbm>> -> memref<256xi32, #tpu.memory_space<hbm>>
      tpu.wait_dma2 semaphore(%run_scoped3A : memref<!tpu.dma_semaphore, #tpu.memory_space<semaphore_mem>>) src(%dma_wait3A_100 : memref<256xi32, #tpu.memory_space<hbm>>) dst(%arg5 : memref<256xi32, #tpu.memory_space<vmem>>)
      tpu.yield
    }) : () -> ()
    %dma_start3A = arith.constant 0 : i32
    %dma_start3A_3 = tpu.memref_slice %arg5[%dma_start3A] : memref<256xi32, #tpu.memory_space<vmem>> -> memref<32xi32, #tpu.memory_space<vmem>>
    %dma_start3A_4 = arith.constant 0 : i32
    %dma_start3A_5 = arith.constant 0 : i32
    %dma_start3A_6 = tpu.memref_slice %arg2[%dma_start3A_4, %dma_start3A_5] : memref<8704x1024xf32, #tpu.memory_space<hbm>> -> memref<8704x1024xf32, #tpu.memory_space<hbm>>
    tpu.enqueue_indirect_dma source(%dma_start3A_6 : memref<8704x1024xf32, #tpu.memory_space<hbm>>) target(%arg6 : memref<32x1024xf32, #tpu.memory_space<vmem>>) offsets(%dma_start3A_3 : memref<32xi32, #tpu.memory_space<vmem>>) semaphore(%arg9 : memref<!tpu.dma_semaphore, #tpu.memory_space<semaphore_mem>>)
    %dma_start3A_7 = arith.constant 32 : i32
    %dma_start3A_8 = tpu.memref_slice %arg5[%dma_start3A_7] : memref<256xi32, #tpu.memory_space<vmem>> -> memref<32xi32, #tpu.memory_space<vmem>>
    %dma_start3A_9 = arith.constant 0 : i32
    %dma_start3A_10 = arith.constant 0 : i32
    %dma_start3A_11 = tpu.memref_slice %arg2[%dma_start3A_9, %dma_start3A_10] : memref<8704x1024xf32, #tpu.memory_space<hbm>> -> memref<8704x1024xf32, #tpu.memory_space<hbm>>
    tpu.enqueue_indirect_dma source(%dma_start3A_11 : memref<8704x1024xf32, #tpu.memory_space<hbm>>) target(%arg7 : memref<32x1024xf32, #tpu.memory_space<vmem>>) offsets(%dma_start3A_8 : memref<32xi32, #tpu.memory_space<vmem>>) semaphore(%arg10 : memref<!tpu.dma_semaphore, #tpu.memory_space<semaphore_mem>>)
    %dma_start3A_12 = arith.constant 64 : i32
    %dma_start3A_13 = tpu.memref_slice %arg5[%dma_start3A_12] : memref<256xi32, #tpu.memory_space<vmem>> -> memref<32xi32, #tpu.memory_space<vmem>>
    %dma_start3A_14 = arith.constant 0 : i32
    %dma_start3A_15 = arith.constant 0 : i32
    %dma_start3A_16 = tpu.memref_slice %arg2[%dma_start3A_14, %dma_start3A_15] : memref<8704x1024xf32, #tpu.memory_space<hbm>> -> memref<8704x1024xf32, #tpu.memory_space<hbm>>
    tpu.enqueue_indirect_dma source(%dma_start3A_16 : memref<8704x1024xf32, #tpu.memory_space<hbm>>) target(%arg8 : memref<32x1024xf32, #tpu.memory_space<vmem>>) offsets(%dma_start3A_13 : memref<32xi32, #tpu.memory_space<vmem>>) semaphore(%arg11 : memref<!tpu.dma_semaphore, #tpu.memory_space<semaphore_mem>>)
    %dma_wait3A = arith.constant 0 : i32
    %dma_wait3A_17 = tpu.memref_slice %arg5[%dma_wait3A] : memref<256xi32, #tpu.memory_space<vmem>> -> memref<32xi32, #tpu.memory_space<vmem>>
    %dma_wait3A_18 = arith.constant 0 : i32
    %dma_wait3A_19 = arith.constant 0 : i32
    %dma_wait3A_20 = tpu.memref_slice %arg2[%dma_wait3A_18, %dma_wait3A_19] : memref<8704x1024xf32, #tpu.memory_space<hbm>> -> memref<8704x1024xf32, #tpu.memory_space<hbm>>
    tpu.wait_indirect_dma semaphore(%arg9 : memref<!tpu.dma_semaphore, #tpu.memory_space<semaphore_mem>>) src(%dma_wait3A_20 : memref<8704x1024xf32, #tpu.memory_space<hbm>>) dst(%arg6 : memref<32x1024xf32, #tpu.memory_space<vmem>>)
    %add3A_21 = arith.constant 0 : i32
    %add3A_22 = arith.addi %mul3A_2, %add3A_21 : i32
    "tpu.region"() ({
      %run_scoped3A = tpu.sem_alloc : memref<!tpu.dma_semaphore, #tpu.memory_space<semaphore_mem>>
      %dma_start3A_97 = arith.constant 0 : i32
      %dma_start3A_98 = tpu.memref_slice %arg4[%add3A_22, %dma_start3A_97] : memref<8192x1024xf32, #tpu.memory_space<hbm>> -> memref<32x1024xf32, #tpu.memory_space<hbm>>
      %dma_start3A_99 = arith.constant 0 : i32
      %dma_start3A_100 = tpu.memref_slice %arg4[%add3A_22, %dma_start3A_99] : memref<8192x1024xf32, #tpu.memory_space<hbm>> -> memref<32x1024xf32, #tpu.memory_space<hbm>>
      tpu.enqueue_dma source(%arg6 : memref<32x1024xf32, #tpu.memory_space<vmem>>) target(%dma_start3A_100 : memref<32x1024xf32, #tpu.memory_space<hbm>>) target_semaphore(%run_scoped3A : memref<!tpu.dma_semaphore, #tpu.memory_space<semaphore_mem>>)
      %dma_wait3A_101 = arith.constant 0 : i32
      %dma_wait3A_102 = tpu.memref_slice %arg4[%add3A_22, %dma_wait3A_101] : memref<8192x1024xf32, #tpu.memory_space<hbm>> -> memref<32x1024xf32, #tpu.memory_space<hbm>>
      %dma_wait3A_103 = arith.constant 0 : i32
      %dma_wait3A_104 = tpu.memref_slice %arg4[%add3A_22, %dma_wait3A_103] : memref<8192x1024xf32, #tpu.memory_space<hbm>> -> memref<32x1024xf32, #tpu.memory_space<hbm>>
      tpu.wait_dma2 semaphore(%run_scoped3A : memref<!tpu.dma_semaphore, #tpu.memory_space<semaphore_mem>>) src(%arg6 : memref<32x1024xf32, #tpu.memory_space<vmem>>) dst(%dma_wait3A_104 : memref<32x1024xf32, #tpu.memory_space<hbm>>)
      tpu.yield
    }) : () -> ()
    %dma_start3A_23 = arith.constant 96 : i32
    %dma_start3A_24 = tpu.memref_slice %arg5[%dma_start3A_23] : memref<256xi32, #tpu.memory_space<vmem>> -> memref<32xi32, #tpu.memory_space<vmem>>
    %dma_start3A_25 = arith.constant 0 : i32
    %dma_start3A_26 = arith.constant 0 : i32
    %dma_start3A_27 = tpu.memref_slice %arg2[%dma_start3A_25, %dma_start3A_26] : memref<8704x1024xf32, #tpu.memory_space<hbm>> -> memref<8704x1024xf32, #tpu.memory_space<hbm>>
    tpu.enqueue_indirect_dma source(%dma_start3A_27 : memref<8704x1024xf32, #tpu.memory_space<hbm>>) target(%arg6 : memref<32x1024xf32, #tpu.memory_space<vmem>>) offsets(%dma_start3A_24 : memref<32xi32, #tpu.memory_space<vmem>>) semaphore(%arg9 : memref<!tpu.dma_semaphore, #tpu.memory_space<semaphore_mem>>)
    %dma_wait3A_28 = arith.constant 32 : i32
    %dma_wait3A_29 = tpu.memref_slice %arg5[%dma_wait3A_28] : memref<256xi32, #tpu.memory_space<vmem>> -> memref<32xi32, #tpu.memory_space<vmem>>
    %dma_wait3A_30 = arith.constant 0 : i32
    %dma_wait3A_31 = arith.constant 0 : i32
    %dma_wait3A_32 = tpu.memref_slice %arg2[%dma_wait3A_30, %dma_wait3A_31] : memref<8704x1024xf32, #tpu.memory_space<hbm>> -> memref<8704x1024xf32, #tpu.memory_space<hbm>>
    tpu.wait_indirect_dma semaphore(%arg10 : memref<!tpu.dma_semaphore, #tpu.memory_space<semaphore_mem>>) src(%dma_wait3A_32 : memref<8704x1024xf32, #tpu.memory_space<hbm>>) dst(%arg7 : memref<32x1024xf32, #tpu.memory_space<vmem>>)
    %add3A_33 = arith.constant 32 : i32
    %add3A_34 = arith.addi %mul3A_2, %add3A_33 : i32
    "tpu.region"() ({
      %run_scoped3A = tpu.sem_alloc : memref<!tpu.dma_semaphore, #tpu.memory_space<semaphore_mem>>
      %dma_start3A_97 = arith.constant 0 : i32
      %dma_start3A_98 = tpu.memref_slice %arg4[%add3A_34, %dma_start3A_97] : memref<8192x1024xf32, #tpu.memory_space<hbm>> -> memref<32x1024xf32, #tpu.memory_space<hbm>>
      %dma_start3A_99 = arith.constant 0 : i32
      %dma_start3A_100 = tpu.memref_slice %arg4[%add3A_34, %dma_start3A_99] : memref<8192x1024xf32, #tpu.memory_space<hbm>> -> memref<32x1024xf32, #tpu.memory_space<hbm>>
      tpu.enqueue_dma source(%arg7 : memref<32x1024xf32, #tpu.memory_space<vmem>>) target(%dma_start3A_100 : memref<32x1024xf32, #tpu.memory_space<hbm>>) target_semaphore(%run_scoped3A : memref<!tpu.dma_semaphore, #tpu.memory_space<semaphore_mem>>)
      %dma_wait3A_101 = arith.constant 0 : i32
      %dma_wait3A_102 = tpu.memref_slice %arg4[%add3A_34, %dma_wait3A_101] : memref<8192x1024xf32, #tpu.memory_space<hbm>> -> memref<32x1024xf32, #tpu.memory_space<hbm>>
      %dma_wait3A_103 = arith.constant 0 : i32
      %dma_wait3A_104 = tpu.memref_slice %arg4[%add3A_34, %dma_wait3A_103] : memref<8192x1024xf32, #tpu.memory_space<hbm>> -> memref<32x1024xf32, #tpu.memory_space<hbm>>
      tpu.wait_dma2 semaphore(%run_scoped3A : memref<!tpu.dma_semaphore, #tpu.memory_space<semaphore_mem>>) src(%arg7 : memref<32x1024xf32, #tpu.memory_space<vmem>>) dst(%dma_wait3A_104 : memref<32x1024xf32, #tpu.memory_space<hbm>>)
      tpu.yield
    }) : () -> ()
    %dma_start3A_35 = arith.constant 128 : i32
    %dma_start3A_36 = tpu.memref_slice %arg5[%dma_start3A_35] : memref<256xi32, #tpu.memory_space<vmem>> -> memref<32xi32, #tpu.memory_space<vmem>>
    %dma_start3A_37 = arith.constant 0 : i32
    %dma_start3A_38 = arith.constant 0 : i32
    %dma_start3A_39 = tpu.memref_slice %arg2[%dma_start3A_37, %dma_start3A_38] : memref<8704x1024xf32, #tpu.memory_space<hbm>> -> memref<8704x1024xf32, #tpu.memory_space<hbm>>
    tpu.enqueue_indirect_dma source(%dma_start3A_39 : memref<8704x1024xf32, #tpu.memory_space<hbm>>) target(%arg7 : memref<32x1024xf32, #tpu.memory_space<vmem>>) offsets(%dma_start3A_36 : memref<32xi32, #tpu.memory_space<vmem>>) semaphore(%arg10 : memref<!tpu.dma_semaphore, #tpu.memory_space<semaphore_mem>>)
    %dma_wait3A_40 = arith.constant 64 : i32
    %dma_wait3A_41 = tpu.memref_slice %arg5[%dma_wait3A_40] : memref<256xi32, #tpu.memory_space<vmem>> -> memref<32xi32, #tpu.memory_space<vmem>>
    %dma_wait3A_42 = arith.constant 0 : i32
    %dma_wait3A_43 = arith.constant 0 : i32
    %dma_wait3A_44 = tpu.memref_slice %arg2[%dma_wait3A_42, %dma_wait3A_43] : memref<8704x1024xf32, #tpu.memory_space<hbm>> -> memref<8704x1024xf32, #tpu.memory_space<hbm>>
    tpu.wait_indirect_dma semaphore(%arg11 : memref<!tpu.dma_semaphore, #tpu.memory_space<semaphore_mem>>) src(%dma_wait3A_44 : memref<8704x1024xf32, #tpu.memory_space<hbm>>) dst(%arg8 : memref<32x1024xf32, #tpu.memory_space<vmem>>)
    %add3A_45 = arith.constant 64 : i32
    %add3A_46 = arith.addi %mul3A_2, %add3A_45 : i32
    "tpu.region"() ({
      %run_scoped3A = tpu.sem_alloc : memref<!tpu.dma_semaphore, #tpu.memory_space<semaphore_mem>>
      %dma_start3A_97 = arith.constant 0 : i32
      %dma_start3A_98 = tpu.memref_slice %arg4[%add3A_46, %dma_start3A_97] : memref<8192x1024xf32, #tpu.memory_space<hbm>> -> memref<32x1024xf32, #tpu.memory_space<hbm>>
      %dma_start3A_99 = arith.constant 0 : i32
      %dma_start3A_100 = tpu.memref_slice %arg4[%add3A_46, %dma_start3A_99] : memref<8192x1024xf32, #tpu.memory_space<hbm>> -> memref<32x1024xf32, #tpu.memory_space<hbm>>
      tpu.enqueue_dma source(%arg8 : memref<32x1024xf32, #tpu.memory_space<vmem>>) target(%dma_start3A_100 : memref<32x1024xf32, #tpu.memory_space<hbm>>) target_semaphore(%run_scoped3A : memref<!tpu.dma_semaphore, #tpu.memory_space<semaphore_mem>>)
      %dma_wait3A_101 = arith.constant 0 : i32
      %dma_wait3A_102 = tpu.memref_slice %arg4[%add3A_46, %dma_wait3A_101] : memref<8192x1024xf32, #tpu.memory_space<hbm>> -> memref<32x1024xf32, #tpu.memory_space<hbm>>
      %dma_wait3A_103 = arith.constant 0 : i32
      %dma_wait3A_104 = tpu.memref_slice %arg4[%add3A_46, %dma_wait3A_103] : memref<8192x1024xf32, #tpu.memory_space<hbm>> -> memref<32x1024xf32, #tpu.memory_space<hbm>>
      tpu.wait_dma2 semaphore(%run_scoped3A : memref<!tpu.dma_semaphore, #tpu.memory_space<semaphore_mem>>) src(%arg8 : memref<32x1024xf32, #tpu.memory_space<vmem>>) dst(%dma_wait3A_104 : memref<32x1024xf32, #tpu.memory_space<hbm>>)
      tpu.yield
    }) : () -> ()
    %dma_start3A_47 = arith.constant 160 : i32
    %dma_start3A_48 = tpu.memref_slice %arg5[%dma_start3A_47] : memref<256xi32, #tpu.memory_space<vmem>> -> memref<32xi32, #tpu.memory_space<vmem>>
    %dma_start3A_49 = arith.constant 0 : i32
    %dma_start3A_50 = arith.constant 0 : i32
    %dma_start3A_51 = tpu.memref_slice %arg2[%dma_start3A_49, %dma_start3A_50] : memref<8704x1024xf32, #tpu.memory_space<hbm>> -> memref<8704x1024xf32, #tpu.memory_space<hbm>>
    tpu.enqueue_indirect_dma source(%dma_start3A_51 : memref<8704x1024xf32, #tpu.memory_space<hbm>>) target(%arg8 : memref<32x1024xf32, #tpu.memory_space<vmem>>) offsets(%dma_start3A_48 : memref<32xi32, #tpu.memory_space<vmem>>) semaphore(%arg11 : memref<!tpu.dma_semaphore, #tpu.memory_space<semaphore_mem>>)
    %dma_wait3A_52 = arith.constant 96 : i32
    %dma_wait3A_53 = tpu.memref_slice %arg5[%dma_wait3A_52] : memref<256xi32, #tpu.memory_space<vmem>> -> memref<32xi32, #tpu.memory_space<vmem>>
    %dma_wait3A_54 = arith.constant 0 : i32
    %dma_wait3A_55 = arith.constant 0 : i32
    %dma_wait3A_56 = tpu.memref_slice %arg2[%dma_wait3A_54, %dma_wait3A_55] : memref<8704x1024xf32, #tpu.memory_space<hbm>> -> memref<8704x1024xf32, #tpu.memory_space<hbm>>
    tpu.wait_indirect_dma semaphore(%arg9 : memref<!tpu.dma_semaphore, #tpu.memory_space<semaphore_mem>>) src(%dma_wait3A_56 : memref<8704x1024xf32, #tpu.memory_space<hbm>>) dst(%arg6 : memref<32x1024xf32, #tpu.memory_space<vmem>>)
    %add3A_57 = arith.constant 96 : i32
    %add3A_58 = arith.addi %mul3A_2, %add3A_57 : i32
    "tpu.region"() ({
      %run_scoped3A = tpu.sem_alloc : memref<!tpu.dma_semaphore, #tpu.memory_space<semaphore_mem>>
      %dma_start3A_97 = arith.constant 0 : i32
      %dma_start3A_98 = tpu.memref_slice %arg4[%add3A_58, %dma_start3A_97] : memref<8192x1024xf32, #tpu.memory_space<hbm>> -> memref<32x1024xf32, #tpu.memory_space<hbm>>
      %dma_start3A_99 = arith.constant 0 : i32
      %dma_start3A_100 = tpu.memref_slice %arg4[%add3A_58, %dma_start3A_99] : memref<8192x1024xf32, #tpu.memory_space<hbm>> -> memref<32x1024xf32, #tpu.memory_space<hbm>>
      tpu.enqueue_dma source(%arg6 : memref<32x1024xf32, #tpu.memory_space<vmem>>) target(%dma_start3A_100 : memref<32x1024xf32, #tpu.memory_space<hbm>>) target_semaphore(%run_scoped3A : memref<!tpu.dma_semaphore, #tpu.memory_space<semaphore_mem>>)
      %dma_wait3A_101 = arith.constant 0 : i32
      %dma_wait3A_102 = tpu.memref_slice %arg4[%add3A_58, %dma_wait3A_101] : memref<8192x1024xf32, #tpu.memory_space<hbm>> -> memref<32x1024xf32, #tpu.memory_space<hbm>>
      %dma_wait3A_103 = arith.constant 0 : i32
      %dma_wait3A_104 = tpu.memref_slice %arg4[%add3A_58, %dma_wait3A_103] : memref<8192x1024xf32, #tpu.memory_space<hbm>> -> memref<32x1024xf32, #tpu.memory_space<hbm>>
      tpu.wait_dma2 semaphore(%run_scoped3A : memref<!tpu.dma_semaphore, #tpu.memory_space<semaphore_mem>>) src(%arg6 : memref<32x1024xf32, #tpu.memory_space<vmem>>) dst(%dma_wait3A_104 : memref<32x1024xf32, #tpu.memory_space<hbm>>)
      tpu.yield
    }) : () -> ()
    %dma_start3A_59 = arith.constant 192 : i32
    %dma_start3A_60 = tpu.memref_slice %arg5[%dma_start3A_59] : memref<256xi32, #tpu.memory_space<vmem>> -> memref<32xi32, #tpu.memory_space<vmem>>
    %dma_start3A_61 = arith.constant 0 : i32
    %dma_start3A_62 = arith.constant 0 : i32
    %dma_start3A_63 = tpu.memref_slice %arg2[%dma_start3A_61, %dma_start3A_62] : memref<8704x1024xf32, #tpu.memory_space<hbm>> -> memref<8704x1024xf32, #tpu.memory_space<hbm>>
    tpu.enqueue_indirect_dma source(%dma_start3A_63 : memref<8704x1024xf32, #tpu.memory_space<hbm>>) target(%arg6 : memref<32x1024xf32, #tpu.memory_space<vmem>>) offsets(%dma_start3A_60 : memref<32xi32, #tpu.memory_space<vmem>>) semaphore(%arg9 : memref<!tpu.dma_semaphore, #tpu.memory_space<semaphore_mem>>)
    %dma_wait3A_64 = arith.constant 128 : i32
    %dma_wait3A_65 = tpu.memref_slice %arg5[%dma_wait3A_64] : memref<256xi32, #tpu.memory_space<vmem>> -> memref<32xi32, #tpu.memory_space<vmem>>
    %dma_wait3A_66 = arith.constant 0 : i32
    %dma_wait3A_67 = arith.constant 0 : i32
    %dma_wait3A_68 = tpu.memref_slice %arg2[%dma_wait3A_66, %dma_wait3A_67] : memref<8704x1024xf32, #tpu.memory_space<hbm>> -> memref<8704x1024xf32, #tpu.memory_space<hbm>>
    tpu.wait_indirect_dma semaphore(%arg10 : memref<!tpu.dma_semaphore, #tpu.memory_space<semaphore_mem>>) src(%dma_wait3A_68 : memref<8704x1024xf32, #tpu.memory_space<hbm>>) dst(%arg7 : memref<32x1024xf32, #tpu.memory_space<vmem>>)
    %add3A_69 = arith.constant 128 : i32
    %add3A_70 = arith.addi %mul3A_2, %add3A_69 : i32
    "tpu.region"() ({
      %run_scoped3A = tpu.sem_alloc : memref<!tpu.dma_semaphore, #tpu.memory_space<semaphore_mem>>
      %dma_start3A_97 = arith.constant 0 : i32
      %dma_start3A_98 = tpu.memref_slice %arg4[%add3A_70, %dma_start3A_97] : memref<8192x1024xf32, #tpu.memory_space<hbm>> -> memref<32x1024xf32, #tpu.memory_space<hbm>>
      %dma_start3A_99 = arith.constant 0 : i32
      %dma_start3A_100 = tpu.memref_slice %arg4[%add3A_70, %dma_start3A_99] : memref<8192x1024xf32, #tpu.memory_space<hbm>> -> memref<32x1024xf32, #tpu.memory_space<hbm>>
      tpu.enqueue_dma source(%arg7 : memref<32x1024xf32, #tpu.memory_space<vmem>>) target(%dma_start3A_100 : memref<32x1024xf32, #tpu.memory_space<hbm>>) target_semaphore(%run_scoped3A : memref<!tpu.dma_semaphore, #tpu.memory_space<semaphore_mem>>)
      %dma_wait3A_101 = arith.constant 0 : i32
      %dma_wait3A_102 = tpu.memref_slice %arg4[%add3A_70, %dma_wait3A_101] : memref<8192x1024xf32, #tpu.memory_space<hbm>> -> memref<32x1024xf32, #tpu.memory_space<hbm>>
      %dma_wait3A_103 = arith.constant 0 : i32
      %dma_wait3A_104 = tpu.memref_slice %arg4[%add3A_70, %dma_wait3A_103] : memref<8192x1024xf32, #tpu.memory_space<hbm>> -> memref<32x1024xf32, #tpu.memory_space<hbm>>
      tpu.wait_dma2 semaphore(%run_scoped3A : memref<!tpu.dma_semaphore, #tpu.memory_space<semaphore_mem>>) src(%arg7 : memref<32x1024xf32, #tpu.memory_space<vmem>>) dst(%dma_wait3A_104 : memref<32x1024xf32, #tpu.memory_space<hbm>>)
      tpu.yield
    }) : () -> ()
    %dma_start3A_71 = arith.constant 224 : i32
    %dma_start3A_72 = tpu.memref_slice %arg5[%dma_start3A_71] : memref<256xi32, #tpu.memory_space<vmem>> -> memref<32xi32, #tpu.memory_space<vmem>>
    %dma_start3A_73 = arith.constant 0 : i32
    %dma_start3A_74 = arith.constant 0 : i32
    %dma_start3A_75 = tpu.memref_slice %arg2[%dma_start3A_73, %dma_start3A_74] : memref<8704x1024xf32, #tpu.memory_space<hbm>> -> memref<8704x1024xf32, #tpu.memory_space<hbm>>
    tpu.enqueue_indirect_dma source(%dma_start3A_75 : memref<8704x1024xf32, #tpu.memory_space<hbm>>) target(%arg7 : memref<32x1024xf32, #tpu.memory_space<vmem>>) offsets(%dma_start3A_72 : memref<32xi32, #tpu.memory_space<vmem>>) semaphore(%arg10 : memref<!tpu.dma_semaphore, #tpu.memory_space<semaphore_mem>>)
    %dma_wait3A_76 = arith.constant 160 : i32
    %dma_wait3A_77 = tpu.memref_slice %arg5[%dma_wait3A_76] : memref<256xi32, #tpu.memory_space<vmem>> -> memref<32xi32, #tpu.memory_space<vmem>>
    %dma_wait3A_78 = arith.constant 0 : i32
    %dma_wait3A_79 = arith.constant 0 : i32
    %dma_wait3A_80 = tpu.memref_slice %arg2[%dma_wait3A_78, %dma_wait3A_79] : memref<8704x1024xf32, #tpu.memory_space<hbm>> -> memref<8704x1024xf32, #tpu.memory_space<hbm>>
    tpu.wait_indirect_dma semaphore(%arg11 : memref<!tpu.dma_semaphore, #tpu.memory_space<semaphore_mem>>) src(%dma_wait3A_80 : memref<8704x1024xf32, #tpu.memory_space<hbm>>) dst(%arg8 : memref<32x1024xf32, #tpu.memory_space<vmem>>)
    %add3A_81 = arith.constant 160 : i32
    %add3A_82 = arith.addi %mul3A_2, %add3A_81 : i32
    "tpu.region"() ({
      %run_scoped3A = tpu.sem_alloc : memref<!tpu.dma_semaphore, #tpu.memory_space<semaphore_mem>>
      %dma_start3A_97 = arith.constant 0 : i32
      %dma_start3A_98 = tpu.memref_slice %arg4[%add3A_82, %dma_start3A_97] : memref<8192x1024xf32, #tpu.memory_space<hbm>> -> memref<32x1024xf32, #tpu.memory_space<hbm>>
      %dma_start3A_99 = arith.constant 0 : i32
      %dma_start3A_100 = tpu.memref_slice %arg4[%add3A_82, %dma_start3A_99] : memref<8192x1024xf32, #tpu.memory_space<hbm>> -> memref<32x1024xf32, #tpu.memory_space<hbm>>
      tpu.enqueue_dma source(%arg8 : memref<32x1024xf32, #tpu.memory_space<vmem>>) target(%dma_start3A_100 : memref<32x1024xf32, #tpu.memory_space<hbm>>) target_semaphore(%run_scoped3A : memref<!tpu.dma_semaphore, #tpu.memory_space<semaphore_mem>>)
      %dma_wait3A_101 = arith.constant 0 : i32
      %dma_wait3A_102 = tpu.memref_slice %arg4[%add3A_82, %dma_wait3A_101] : memref<8192x1024xf32, #tpu.memory_space<hbm>> -> memref<32x1024xf32, #tpu.memory_space<hbm>>
      %dma_wait3A_103 = arith.constant 0 : i32
      %dma_wait3A_104 = tpu.memref_slice %arg4[%add3A_82, %dma_wait3A_103] : memref<8192x1024xf32, #tpu.memory_space<hbm>> -> memref<32x1024xf32, #tpu.memory_space<hbm>>
      tpu.wait_dma2 semaphore(%run_scoped3A : memref<!tpu.dma_semaphore, #tpu.memory_space<semaphore_mem>>) src(%arg8 : memref<32x1024xf32, #tpu.memory_space<vmem>>) dst(%dma_wait3A_104 : memref<32x1024xf32, #tpu.memory_space<hbm>>)
      tpu.yield
    }) : () -> ()
    %dma_wait3A_83 = arith.constant 192 : i32
    %dma_wait3A_84 = tpu.memref_slice %arg5[%dma_wait3A_83] : memref<256xi32, #tpu.memory_space<vmem>> -> memref<32xi32, #tpu.memory_space<vmem>>
    %dma_wait3A_85 = arith.constant 0 : i32
    %dma_wait3A_86 = arith.constant 0 : i32
    %dma_wait3A_87 = tpu.memref_slice %arg2[%dma_wait3A_85, %dma_wait3A_86] : memref<8704x1024xf32, #tpu.memory_space<hbm>> -> memref<8704x1024xf32, #tpu.memory_space<hbm>>
    tpu.wait_indirect_dma semaphore(%arg9 : memref<!tpu.dma_semaphore, #tpu.memory_space<semaphore_mem>>) src(%dma_wait3A_87 : memref<8704x1024xf32, #tpu.memory_space<hbm>>) dst(%arg6 : memref<32x1024xf32, #tpu.memory_space<vmem>>)
    %add3A_88 = arith.constant 192 : i32
    %add3A_89 = arith.addi %mul3A_2, %add3A_88 : i32
    "tpu.region"() ({
      %run_scoped3A = tpu.sem_alloc : memref<!tpu.dma_semaphore, #tpu.memory_space<semaphore_mem>>
      %dma_start3A_97 = arith.constant 0 : i32
      %dma_start3A_98 = tpu.memref_slice %arg4[%add3A_89, %dma_start3A_97] : memref<8192x1024xf32, #tpu.memory_space<hbm>> -> memref<32x1024xf32, #tpu.memory_space<hbm>>
      %dma_start3A_99 = arith.constant 0 : i32
      %dma_start3A_100 = tpu.memref_slice %arg4[%add3A_89, %dma_start3A_99] : memref<8192x1024xf32, #tpu.memory_space<hbm>> -> memref<32x1024xf32, #tpu.memory_space<hbm>>
      tpu.enqueue_dma source(%arg6 : memref<32x1024xf32, #tpu.memory_space<vmem>>) target(%dma_start3A_100 : memref<32x1024xf32, #tpu.memory_space<hbm>>) target_semaphore(%run_scoped3A : memref<!tpu.dma_semaphore, #tpu.memory_space<semaphore_mem>>)
      %dma_wait3A_101 = arith.constant 0 : i32
      %dma_wait3A_102 = tpu.memref_slice %arg4[%add3A_89, %dma_wait3A_101] : memref<8192x1024xf32, #tpu.memory_space<hbm>> -> memref<32x1024xf32, #tpu.memory_space<hbm>>
      %dma_wait3A_103 = arith.constant 0 : i32
      %dma_wait3A_104 = tpu.memref_slice %arg4[%add3A_89, %dma_wait3A_103] : memref<8192x1024xf32, #tpu.memory_space<hbm>> -> memref<32x1024xf32, #tpu.memory_space<hbm>>
      tpu.wait_dma2 semaphore(%run_scoped3A : memref<!tpu.dma_semaphore, #tpu.memory_space<semaphore_mem>>) src(%arg6 : memref<32x1024xf32, #tpu.memory_space<vmem>>) dst(%dma_wait3A_104 : memref<32x1024xf32, #tpu.memory_space<hbm>>)
      tpu.yield
    }) : () -> ()
    %dma_wait3A_90 = arith.constant 224 : i32
    %dma_wait3A_91 = tpu.memref_slice %arg5[%dma_wait3A_90] : memref<256xi32, #tpu.memory_space<vmem>> -> memref<32xi32, #tpu.memory_space<vmem>>
    %dma_wait3A_92 = arith.constant 0 : i32
    %dma_wait3A_93 = arith.constant 0 : i32
    %dma_wait3A_94 = tpu.memref_slice %arg2[%dma_wait3A_92, %dma_wait3A_93] : memref<8704x1024xf32, #tpu.memory_space<hbm>> -> memref<8704x1024xf32, #tpu.memory_space<hbm>>
    tpu.wait_indirect_dma semaphore(%arg10 : memref<!tpu.dma_semaphore, #tpu.memory_space<semaphore_mem>>) src(%dma_wait3A_94 : memref<8704x1024xf32, #tpu.memory_space<hbm>>) dst(%arg7 : memref<32x1024xf32, #tpu.memory_space<vmem>>)
    %add3A_95 = arith.constant 224 : i32
    %add3A_96 = arith.addi %mul3A_2, %add3A_95 : i32
    "tpu.region"() ({
      %run_scoped3A = tpu.sem_alloc : memref<!tpu.dma_semaphore, #tpu.memory_space<semaphore_mem>>
      %dma_start3A_97 = arith.constant 0 : i32
      %dma_start3A_98 = tpu.memref_slice %arg4[%add3A_96, %dma_start3A_97] : memref<8192x1024xf32, #tpu.memory_space<hbm>> -> memref<32x1024xf32, #tpu.memory_space<hbm>>
      %dma_start3A_99 = arith.constant 0 : i32
      %dma_start3A_100 = tpu.memref_slice %arg4[%add3A_96, %dma_start3A_99] : memref<8192x1024xf32, #tpu.memory_space<hbm>> -> memref<32x1024xf32, #tpu.memory_space<hbm>>
      tpu.enqueue_dma source(%arg7 : memref<32x1024xf32, #tpu.memory_space<vmem>>) target(%dma_start3A_100 : memref<32x1024xf32, #tpu.memory_space<hbm>>) target_semaphore(%run_scoped3A : memref<!tpu.dma_semaphore, #tpu.memory_space<semaphore_mem>>)
      %dma_wait3A_101 = arith.constant 0 : i32
      %dma_wait3A_102 = tpu.memref_slice %arg4[%add3A_96, %dma_wait3A_101] : memref<8192x1024xf32, #tpu.memory_space<hbm>> -> memref<32x1024xf32, #tpu.memory_space<hbm>>
      %dma_wait3A_103 = arith.constant 0 : i32
      %dma_wait3A_104 = tpu.memref_slice %arg4[%add3A_96, %dma_wait3A_103] : memref<8192x1024xf32, #tpu.memory_space<hbm>> -> memref<32x1024xf32, #tpu.memory_space<hbm>>
      tpu.wait_dma2 semaphore(%run_scoped3A : memref<!tpu.dma_semaphore, #tpu.memory_space<semaphore_mem>>) src(%arg7 : memref<32x1024xf32, #tpu.memory_space<vmem>>) dst(%dma_wait3A_104 : memref<32x1024xf32, #tpu.memory_space<hbm>>)
      tpu.yield
    }) : () -> ()
    return
  }
}

module attributes {stable_mosaic.version = 14 : i64} {
  func.func @_mlp_body(%arg0: i32, %arg1: memref<17xi32, #tpu.memory_space<smem>>, %arg2: memref<512x1024xf32, #tpu.memory_space<vmem>>, %arg3: memref<1x4096x1024xbf16, #tpu.memory_space<vmem>>, %arg4: memref<1x1024x4096xbf16, #tpu.memory_space<vmem>>, %arg5: memref<512x1024xf32, #tpu.memory_space<vmem>>) attributes {dimension_semantics = [#tpu.dimension_semantics<arbitrary>], iteration_bounds = array<i64: 17>, scalar_prefetch = 1 : i64, scratch_operands = 0 : i64, tpu.core_type = #tpu.core_type<tc>, window_params = [{transform_indices = @transform_0, window_bounds = array<i64: 512, 1024>}, {transform_indices = @transform_1, window_bounds = array<i64: 1, 4096, 1024>}, {transform_indices = @transform_2, window_bounds = array<i64: 1, 1024, 4096>}, {transform_indices = @transform_3, window_bounds = array<i64: 512, 1024>}]} {
    %get3A = arith.constant 0 : index
    %get3A_0 = arith.constant 0 : index
    %get3A_1 = vector.load %arg2[%get3A, %get3A_0] : memref<512x1024xf32, #tpu.memory_space<vmem>>, vector<512x1024xf32>
    %convert_element_type3A = arith.truncf %get3A_1 : vector<512x1024xf32> to vector<512x1024xbf16>
    %get3A_2 = arith.constant 0 : index
    %get3A_3 = arith.constant 0 : index
    %get3A_4 = arith.constant 0 : index
    %get3A_5 = vector.load %arg3[%get3A_2, %get3A_3, %get3A_4] : memref<1x4096x1024xbf16, #tpu.memory_space<vmem>>, vector<1x4096x1024xbf16>
    %get3A_6 = vector.shape_cast %get3A_5 : vector<1x4096x1024xbf16> to vector<4096x1024xbf16>
    %dot_general3A = arith.constant dense<0.000000e+00> : vector<512x4096xf32>
    %dot_general3A_7 = tpu.matmul %convert_element_type3A, %get3A_6, %dot_general3A {dimension_numbers = #tpu.dot_dimension_numbers<[1], [1], [0], [0], [0, 0, 1, 0], [], []>, transpose_lhs_hint = false} : vector<512x1024xbf16>, vector<4096x1024xbf16>, vector<512x4096xf32> -> vector<512x4096xf32>
    %mul3A = arith.constant 5.000000e-01 : f32
    %mul3A_8 = vector.broadcast %mul3A : f32 to vector<512x4096xf32>
    %mul3A_9 = arith.mulf %mul3A_8, %dot_general3A_7 : vector<512x4096xf32>
    %mul3A_10 = arith.constant 0.707106769 : f32
    %mul3A_11 = vector.broadcast %mul3A_10 : f32 to vector<512x4096xf32>
    %mul3A_12 = arith.mulf %dot_general3A_7, %mul3A_11 : vector<512x4096xf32>
    %erf3A = math.erf %mul3A_12 : vector<512x4096xf32>
    %add3A = arith.constant 1.000000e+00 : f32
    %add3A_13 = vector.broadcast %add3A : f32 to vector<512x4096xf32>
    %add3A_14 = arith.addf %add3A_13, %erf3A : vector<512x4096xf32>
    %mul3A_15 = arith.mulf %mul3A_9, %add3A_14 : vector<512x4096xf32>
    %convert_element_type3A_16 = arith.truncf %mul3A_15 : vector<512x4096xf32> to vector<512x4096xbf16>
    %get3A_17 = arith.constant 0 : index
    %get3A_18 = arith.constant 0 : index
    %get3A_19 = arith.constant 0 : index
    %get3A_20 = vector.load %arg4[%get3A_17, %get3A_18, %get3A_19] : memref<1x1024x4096xbf16, #tpu.memory_space<vmem>>, vector<1x1024x4096xbf16>
    %get3A_21 = vector.shape_cast %get3A_20 : vector<1x1024x4096xbf16> to vector<1024x4096xbf16>
    %dot_general3A_22 = arith.constant dense<0.000000e+00> : vector<512x1024xf32>
    %dot_general3A_23 = tpu.matmul %convert_element_type3A_16, %get3A_21, %dot_general3A_22 {dimension_numbers = #tpu.dot_dimension_numbers<[1], [1], [0], [0], [0, 0, 1, 0], [], []>, transpose_lhs_hint = false} : vector<512x4096xbf16>, vector<1024x4096xbf16>, vector<512x1024xf32> -> vector<512x1024xf32>
    %swap3A = arith.constant 0 : index
    %swap3A_24 = arith.constant 0 : index
    %swap3A_25 = vector.load %arg5[%swap3A, %swap3A_24] : memref<512x1024xf32, #tpu.memory_space<vmem>>, vector<512x1024xf32>
    tpu.vector_store %arg5[%swap3A, %swap3A_24], %dot_general3A_23 {strides = array<i32>} : memref<512x1024xf32, #tpu.memory_space<vmem>>, vector<512x1024xf32>,
    return
  }
  func.func @transform_0(%arg0: i32, %arg1: memref<17xi32, #tpu.memory_space<smem>>) -> (i32, i32) {
    %c0_i32 = arith.constant 0 : i32
    %c0_i32_0 = arith.constant 0 : i32
    return %arg0, %c0_i32 : i32, i32
  }
  func.func @transform_1(%arg0: i32, %arg1: memref<17xi32, #tpu.memory_space<smem>>) -> (i32, i32, i32) {
    %get3A = arith.index_cast %arg0 : i32 to index
    %get3A_0 = memref.load %arg1[%get3A] : memref<17xi32, #tpu.memory_space<smem>>
    %c0_i32 = arith.constant 0 : i32
    %c0_i32_1 = arith.constant 0 : i32
    %c0_i32_2 = arith.constant 0 : i32
    return %get3A_0, %c0_i32, %c0_i32_1 : i32, i32, i32
  }
  func.func @transform_2(%arg0: i32, %arg1: memref<17xi32, #tpu.memory_space<smem>>) -> (i32, i32, i32) {
    %get3A = arith.index_cast %arg0 : i32 to index
    %get3A_0 = memref.load %arg1[%get3A] : memref<17xi32, #tpu.memory_space<smem>>
    %c0_i32 = arith.constant 0 : i32
    %c0_i32_1 = arith.constant 0 : i32
    %c0_i32_2 = arith.constant 0 : i32
    return %get3A_0, %c0_i32, %c0_i32_1 : i32, i32, i32
  }
  func.func @transform_3(%arg0: i32, %arg1: memref<17xi32, #tpu.memory_space<smem>>) -> (i32, i32) {
    %c0_i32 = arith.constant 0 : i32
    %c0_i32_0 = arith.constant 0 : i32
    return %arg0, %c0_i32 : i32, i32
  }
}

</mosaic_0001>

<sc_bundles>
// kernel: kernel.5.cloned.1.call-start
scs
__scs_entry_jumppad:
0x0: {  	(pc) =	sbr.rel $0x88, $3  }
0x1: {  	(tag) =	ssettag $0x0;
	lr =	simm.s32 $0x1  }
0x2: {  	[smem:$0x3F9B] =	sst lr;
	_ =	strace $0xD0000000  }
0x3: {  	_ = 	snop  }
0x4: {  	_ = 	snop  }
0x5: {  	_ = 	snop  }
0x6: {  	_ = 	snop  }
0x7: {  	_ = 	snop  }
__scs_overlays_trampoline_lowered:
0x8: {  	[smem:$0x3FAA] =	sst s0  }
0x9: {  	[smem:$0x3FAB] =	sst s1  }
0xa: {  	[smem:$0x3FAC] =	sst s2  }
0xb: {  	[smem:$0x3FAD] =	sst s3  }
0xc: {  	[smem:$0x3FAE] =	sst s4  }
0xd: {  	[smem:$0x3FAF] =	sst s5  }
0xe: {  	[smem:$0x3FB0] =	sst s6  }
0xf: {  	[smem:$0x3FB1] =	sst s7  }
0x10: {  	[smem:$0x3FB2] =	sst s8  }
0x11: {  	[smem:$0x3FB3] =	sst s9;
	s0 =	simm.s32 @!p0 $0x0  }
0x12: {  	s1 =	sld [smem:$0x3F99];
	s0 =	simm.s32 @p0 $0x1  }
0x13: {  	[smem:$0x3FB4] =	sst s0;
	s0 =	simm.s32 @!p1 $0x0  }
0x14: {  	s2 =	sld [smem:$0x3F98];
	s0 =	simm.s32 @p1 $0x1  }
0x15: {  	[smem:$0x3FB5] =	sst s0;
	s0 =	simm.s32 @!p2 $0x0  }
0x16: {  	s3 =	sld [smem:$0x3FDB];
	s0 =	simm.s32 @p2 $0x1  }
0x17: {  	s4 =	simm.s32 $0x1BF5;
	[smem:$0x3FB7] =	sst s0  }
0x18: {  	s0 =	sld [smem:$0x3F9A];
	_ =	swait.ge [sflag:s4], $0x0  }
0x19: {  	s7 =	sld [smem:$0x3F9B]  }
0x1a: {  	s8 =	sadd.s32 $0xFFFFE003, lr  }
0x1b: {  	s9 =	sadd.s32 $0xFFFFFEF7, lr;
	s5 =	simm.s32 $0xFFFFFFFF;
	p2 =	slt.u32 s8, $0xFFFFF086  }
0x1c: {  	p1 =	slt.u32 s9, $0xF7A;
	s5 =	simm.s32 @!p2 $0x0  }
0x1d: {  	s5 =	simm.s32 @p1 $0x1;
	p0 =	seq.s32 s7, s2  }
0x1e: {  	s7 =	smul.u32 @!p0 $0xF7A, s2;
	p2 =	seq.s32 @!p0 s5, $0x0  }
0x1f: {  	s9 =	smul.u32 $0xF7A, s1;
	s8 =	simm.s32 @!p0 $0x1BF5;
	p2 =	por !p2, p0  }
0x20: {  	[sflag:s8] =	ssyncset.s32 @!p0 $0xFFFFF086;
	s6 =	sadd.s32 @!p0 s3, s7;
	s7 =	simm.s32 @!p0 $0x108  }
0x21: {  	s3 =	sadd.s32 s3, s9;
	s6 =	sadd.s32 @!p0 $0x88, s6;
	s7 =	simm.s32 @p2 $0x1082  }
0x22: {  	[simem:s7], [sflag:s8] =	dma.local @!p0 [hbm:s6], $0xF7A  }
0x23: {  	s9 =	sor.u32 $0xD0000000, s2;
	s6 =	simm.s32 $0x108;
	_ =	swait.ge @!p0 [sflag:s8], $0x0  }
0x24: {  	s3 =	sadd.s32 $0x88, s3;
	s6 =	simm.s32 @!p1 $0x1082;
	[sflag:s4] =	ssyncset.s32 $0xFFFFF086  }
0x25: {  	[simem:s6], [sflag:s4] =	dma.local [hbm:s3], $0xF7A  }
0x26: {  	[smem:$0x3F9B] =	sst s1;
	(tag) =	ssettag s2;
	_ =	strace s9  }
0x27: {  	s1 =	sld [smem:$0x3FAB]  }
0x28: {  	s2 =	sld [smem:$0x3FAC]  }
0x29: {  	s4 =	sld [smem:$0x3FAE]  }
0x2a: {  	p0 =	seq.s32 s5, $0x0;
	s5 =	sld [smem:$0x3FAF]  }
0x2b: {  	s6 =	sld [smem:$0x3FB0]  }
0x2c: {  	s7 =	sld [smem:$0x3FB1]  }
0x2d: {  	s3 =	simm.s32 $0x108;
	s8 =	sld [smem:$0x3FB2]  }
0x2e: {  	s3 =	simm.s32 @!p0 $0x1082;
	s9 =	sld [smem:$0x3FB3]  }
0x2f: {  	lr =	sadd.s32 s0, s3;
	s0 =	sld [smem:$0x3FAA]  }
0x30: {  	s3 =	sld [smem:$0x3FAD]  }
0x31: {  	[smem:$0x3FB6] =	sst s10  }
0x32: {  	s10 =	sld [smem:$0x3FB4];
	_ =	sdelay $0x3  }
0x33: {  	p0 =	seq.s32 s10, $0x1;
	s10 =	sld [smem:$0x3FB6];
	_ =	sdelay $0x3  }
0x34: {  	[smem:$0x3FB6] =	sst s10  }
0x35: {  	s10 =	sld [smem:$0x3FB5];
	_ =	sdelay $0x3  }
0x36: {  	p1 =	seq.s32 s10, $0x1;
	s10 =	sld [smem:$0x3FB6];
	_ =	sdelay $0x3  }
0x37: {  	[smem:$0x3FB6] =	sst s10  }
0x38: {  	s10 =	sld [smem:$0x3FB7]  }
0x39: {  	_ = 	snop;
	(pc) =	sbr.ind lr, $3  }
0x3a: {  	_ = 	snop  }
0x3b: {  	_ = 	snop  }
0x3c: {  	p2 =	seq.s32 s10, $0x1;
	s10 =	sld [smem:$0x3FB6]  }
0x3d: {  	_ =	shalt  }
0x3e: {  	_ =	shalt  }
0x3f: {  	_ =	shalt  }
0x40: {  	_ =	shalt  }
0x41: {  	_ =	shalt  }
0x42: {  	_ =	shalt  }
0x43: {  	_ =	shalt  }
0x44: {  	_ =	shalt  }
0x45: {  	_ =	shalt  }
0x46: {  	_ =	shalt  }
0x47: {  	_ =	shalt  }
0x48: {  	_ =	shalt  }
0x49: {  	_ =	shalt  }
0x4a: {  	_ =	shalt  }
0x4b: {  	_ =	shalt  }
0x4c: {  	_ =	shalt  }
0x4d: {  	_ =	shalt  }
0x4e: {  	_ =	shalt  }
0x4f: {  	_ =	shalt  }
0x50: {  	_ =	shalt  }
0x51: {  	_ =	shalt  }
0x52: {  	_ =	shalt  }
0x53: {  	_ =	shalt  }
0x54: {  	_ =	shalt  }
0x55: {  	_ =	shalt  }
0x56: {  	_ =	shalt  }
0x57: {  	_ =	shalt  }
0x58: {  	_ =	shalt  }
0x59: {  	_ =	shalt  }
0x5a: {  	_ =	shalt  }
0x5b: {  	_ =	shalt  }
0x5c: {  	_ =	shalt  }
0x5d: {  	_ =	shalt  }
0x5e: {  	_ =	shalt  }
0x5f: {  	_ =	shalt  }
0x60: {  	_ =	shalt  }
0x61: {  	_ =	shalt  }
0x62: {  	_ =	shalt  }
0x63: {  	_ =	shalt  }
0x64: {  	_ =	shalt  }
0x65: {  	_ =	shalt  }
0x66: {  	_ =	shalt  }
0x67: {  	_ =	shalt  }
0x68: {  	_ =	shalt  }
0x69: {  	_ =	shalt  }
0x6a: {  	_ =	shalt  }
0x6b: {  	_ =	shalt  }
0x6c: {  	_ =	shalt  }
0x6d: {  	_ =	shalt  }
0x6e: {  	_ =	shalt  }
0x6f: {  	_ =	shalt  }
0x70: {  	_ =	shalt  }
0x71: {  	_ =	shalt  }
0x72: {  	_ =	shalt  }
0x73: {  	_ =	shalt  }
0x74: {  	_ =	shalt  }
0x75: {  	_ =	shalt  }
0x76: {  	_ =	shalt  }
0x77: {  	_ =	shalt  }
0x78: {  	_ =	shalt  }
0x79: {  	_ =	shalt  }
0x7a: {  	_ =	shalt  }
0x7b: {  	_ =	shalt  }
0x7c: {  	_ =	shalt  }
0x7d: {  	_ =	shalt  }
0x7e: {  	_ =	shalt  }
0x7f: {  	_ =	shalt  }
0x80: {  	_ =	shalt  }
0x81: {  	_ =	shalt  }
0x82: {  	_ =	shalt  }
0x83: {  	_ =	shalt  }
0x84: {  	_ =	shalt  }
0x85: {  	_ =	shalt  }
0x86: {  	_ =	shalt  }
0x87: {  	_ =	shalt  }
.Lfunc_end0:
.L_simem_size_0:
called_computation_lowered:
.L_overlay_start_0:
0x88: {  	s2 =	sld [smem:$0x3FD9]  }
0x89: {  	s3 =	sld [smem:$0x3FFE];
	_ =	sdelay $0x1  }
0x8a: {  	s1 =	srdreg.scid  }
0x8b: {  	s0 =	sand.u32 $0x1, s1  }
0x8c: {  	s17 =	sshll.u32 s0, $0xA;
	s2 =	sadd.s32 s3, s2  }
0x8d: {  	s2 =	sadd.s32 s2, s17  }
0x8e: {  	[smem:$0x3FC2] =	sst s2  }
0x8f: {  	_ = 	snop  }
0x90: {  	s2 =	sld [smem:$0x3FC9];
	(tm) =	ssettm $0x1  }
0x91: {  	s18 =	sld [smem:$0x3FFB];
	_ =	sdelay $0x3  }
0x92: {  	_ =	strace s18  }
0x93: {  	s3 =	sld [smem:$0x3FFC];
	_ =	sdelay $0x3  }
0x94: {  	_ =	strace s3  }
0x95: {  	s3 =	sld [smem:$0x3FFD];
	_ =	sdelay $0x3  }
0x96: {  	_ =	strace s3  }
0x97: {  	_ =	strace $0x8FFFFFFF  }
0x98: {  	s19 =	sld [smem:$0x3FDB];
	_ =	sdelay $0x1  }
0x99: {  	s4 =	simm.s32 $_scs_section_size  }
0x9a: {  	s5 =	simm.s32 $_size__tile_overlayer_lowered;
	s6 =	simm.s32 $_tile_overlayer_lowered  }
0x9b: {  	s22 =	simm.s32 $0x1BFF;
	s21 =	sshll.u32 s6, $0x1;
	s3 =	sadd.s32 s4, s19  }
0x9c: {  	s7 =	simm.s32 $0x0;
	s20 =	sshll.u32 s5, $0x1;
	s5 =	sadd.s32 s21, s3  }
0x9d: {  	[timem:s7], [sflag:s22] =	dma.local [hbm:s5], s20  }
0x9e: {  	_ =	swait.ge [sflag:s22], s20  }
0x9f: {  	s4 =	ssub.s32 $0x0, s20;
	[sflag:s22] =	ssyncset.done $0x0  }
0xa0: {  	[sflag:s22] =	ssyncadd.s32 s4;
	_ =	sdelay $0x1  }
0xa1: {  	s23 =	simm.s32 $0x1B8B  }
0xa2: {  	_ =	swait.ge [sflag:s23], $0x1  }
0xa3: {  	[sflag:s23] =	ssyncset.done $0x0  }
0xa4: {  	s25 =	simm.s32 $0x1B8E;
	s24 =	sld [smem:$0x3FFE];
	[sflag:s23] =	ssyncadd.s32 $0xFFFFFFFF  }
0xa5: {  	s26 =	simm.s32 $execute0_lowered;
	[smem:$0x3FD2] =	sst s25  }
0xa6: {  	s5 =	sshll.u32 s26, $0x1;
	_ =	strace $0x80000046;
	[dreg:$0x1] =	wrdreg $0xFFFFFFFF  }
0xa7: {  	s28 =	simm.s32 $_size_execute0_lowered;
	s3 =	sadd.s32 s3, s5;
	[dreg:$0x0] =	wrdreg $0x0  }
0xa8: {  	s5 =	sshll.u32 s28, $0x1;
	[dreg:$0x2] =	wrdreg s3  }
0xa9: {  	[dreg:$0x3] =	wrdreg s5  }
0xaa: {  	[dreg:$0x4] =	wrdreg $0xC0  }
0xab: {  	_ =	task [dreg:s7], $0x5FFFF  }
0xac: {  	[dreg:$0x1] =	wrdreg $0xFFFFFFFF  }
0xad: {  	[dreg:$0x0] =	wrdreg $0x60  }
0xae: {  	[dreg:$0x2] =	wrdreg s2  }
0xaf: {  	[dreg:$0x3] =	wrdreg s24  }
0xb0: {  	[dreg:$0x4] =	wrdreg $0x9  }
0xb1: {  	_ =	task.clear_ibuf [dreg:s7], $0x5FFFF;
	_ =	strace $0x90000046  }
0xb2: {  	s29 =	simm.s32 $0x9;
	_ =	strace $0x80000048  }
0xb3: {  	_ =	swait.ge [sflag:s29], $0x1  }
0xb4: {  	[sflag:s29] =	ssyncadd.s32 $0xFFFFFFFF  }
0xb5: {  	_ =	strace $0x90000048  }
0xb6: {  	_ =	sfence  }
0xb7: {  	s30 =	sld [smem:$0x0];
	_ =	sdelay $0x2  }
0xb8: {  	s31 =	sshll.u32 s1, $0xD;
	s1 =	sshrl.u32 s1, $0x2  }
0xb9: {  	s3 =	sand.u32 $0x4000, s31;
	s1 =	sadd.s32 s1, s30  }
0xba: {  	s0 =	sor.u32 s3, s0;
	s1 =	sshll.u32 s1, $0x11  }
0xbb: {  	s0 =	sor.u32 s1, s0  }
0xbc: {  	s0 =	sadd.s32 $0x8F2B, s0  }
0xbd: {  	[sflag:s0] =	ssyncadd.remote.s32 $0x1  }
0xbe: {  	_ =	sfence.sel $0xFFFF  }
0xbf: {  	[dreg:$0x0] =	wrdreg $0xFFFFFFFF;
	(pc) =	sbr.abs _section_cstart, $3  }
0xc0: {  	[dreg:$0x1] =	wrdreg $0xFFFFFFFF  }
0xc1: {  	_ =	task.clear_ibuf [dreg:s7], $0x2FFFF;
	_ =	strace $0x9FFFFFFF  }
0xc2: {  	(tm) =	ssettm $0x7FFFFFFF  }
0xc3: {  	_ =	shalt  }
tec
execute0_lowered:
.L_overlay_start_1:
0x0: {  	(tag) =	ssettag $0x1  }
0x1: {  	s0 =	rddreg [dreg:$0x0]  }
0x2: {  	s1 =	srdreg.scid;
	s2 =	stileid.u32  }
0x3: {  	s3 =	rddreg [dreg:$0x1];
	s30 =	simm.s32 $0x4;
	s31 =	simm.s32 $0x2  }
0x4: {  	s11 =	simm.s32 $0x400;
	s10 =	simm.s32 $0x10400;
	s28 =	simm.s32 $0x3  }
0x5: {  	s9 =	simm.s32 $0x11400;
	s12 =	simm.s32 $0x11C00;
	s14 =	simm.s32 $0x12400  }
0x6: {  	s15 =	simm.s32 $0x12C00;
	s16 =	simm.s32 $0x13400;
	s17 =	simm.s32 $0x13C00  }
0x7: {  	s18 =	simm.s32 $0x14400;
	s19 =	simm.s32 $0x14C00;
	s20 =	simm.s32 $0x15400  }
0x8: {  	s13 =	simm.s32 $0x6;
	s1 =	sand.u32 $0x1, s1;
	s4 =	sshll.u32 s2, $0x1  }
0x9: {  	s2 =	simm.s32 $0x0;
	s6 =	sadd.s32 $0x1200, s3;
	s4 =	sor.u32 s1, s4  }
0xa: {  	s7 =	sadd.s32 $0x1300, s3;
	[smem:$0x7FF] =	sst s2;
	s5 =	sshll.u32 s4, $0x7  }
0xb: {  	s1 =	ssub.s32 $0x2, s1;
	s4 =	sshll.u32 s4, $0xF;
	s5 =	sadd.s32 s3, s5  }
0xc: {  	_ =	strace $0x80000047;
	s8 =	sadd.s32 s0, s4;
	[dreg:$0x3] =	wrdreg s5  }
0xd: {  	s22 =	sshrl.u32 s1, $0x1;
	s0 =	sadd.s32 $0x1000, s8;
	[dreg:$0xb] =	wrdreg s8  }
0xe: {  	s4 =	sadd.s32 $0x1000, s3;
	s21 =	sadd.s32 $0x2000, s8;
	[dreg:$0x4] =	wrdreg s0  }
0xf: {  	s1 =	ssub.s32 s1, s22;
	s23 =	sadd.s32 $0x3000, s8;
	[dreg:$0x5] =	wrdreg s21  }
0x10: {  	s22 =	simm.s32 $0x16400;
	s24 =	sadd.s32 $0x4000, s8;
	[dreg:$0x6] =	wrdreg s23  }
0x11: {  	s5 =	sadd.s32 $0x1100, s3;
	s25 =	sadd.s32 $0x5000, s8;
	[dreg:$0x7] =	wrdreg s24  }
0x12: {  	s26 =	sadd.s32 $0x6000, s8;
	s29 =	sadd.s32 $0x7000, s8;
	[dreg:$0x8] =	wrdreg s25  }
0x13: {  	v2 =	vlaneseq.u32;
	s8 =	smax.u32 s1, $0x1;
	s3 =	simm.s32 $0x1;
	[dreg:$0x9] =	wrdreg s26  }
0x14: {  	vm0 =	vmmov $0xffff;
	v1 =	vshrl.u32 v2, $0x3;
	[dreg:$0xa] =	wrdreg s29;
	s25 =	simm.s32 $0x5;
	s21 =	simm.s32 $0x15C00  }
0x15: {  	v0 =	vand.u32 $0x7, v2;
	v2 =	vor.u32 $0x8, v2;
	v1 =	vmul.u32 $0x8, v1;
	s23 =	simm.s32 $0x16C00;
	s24 =	simm.s32 $0x17400;
	s26 =	simm.s32 $0x17C00  }
.LBB2_1:
0x16: {  	s29 =	rddreg [dreg:$0x3];
	s1 =	simm.s32 $0x7  }
0x17: {  	[tilespmem:s2], [sflag:$0x7] =	stream.linear.gather [hbm4b:s29+s2], $0x400, $0x38;
	[tilespmem:$0x18400] =	vst v63  }
0x18: {  	_ =	swait.ge [sflag:s1], $0x400  }
0x19: {  	[sflag:s1] =	ssyncset.done $0x0  }
0x1a: {  	s0 =	rddreg [dreg:$0xb];
	[sflag:s1] =	ssyncadd.s32 $0xFFFFFC00  }
0x1b: {  	[tilespmem:s11], [sflag:$0x1] =	stream.linear.gather [hbm4b:s0+s2], $0x8000, $0x38;
	[tilespmem:$0x18400] =	vst v63  }
0x1c: {  	s29 =	rddreg [dreg:$0x4];
	s0 =	simm.s32 $0x8400  }
0x1d: {  	[tilespmem:s0], [sflag:$0x2] =	stream.linear.gather [hbm4b:s29+s2], $0x8000, $0x38;
	[tilespmem:$0x18400] =	vst v63  }
0x1e: {  	s1 =	rddreg [dreg:$0x5]  }
0x1f: {  	[tilespmem:s10], [sflag:$0x3] =	stream.linear.gather [hbm4b:s1+s2], $0x8000, $0x38;
	[tilespmem:$0x18400] =	vst v63  }
0x20: {  	_ =	swait.ge [sflag:s3], $0x8000  }
0x21: {  	[sflag:s3] =	ssyncset.done $0x0  }
0x22: {  	[sflag:s3] =	ssyncadd.s32 $0xFFFF8000  }
0x23: {  	v3 =	vld [tilespmem:$0x0];
	_ =	sdelay $0x4  }
0x24: {  	v4 =	vshll.u32 v3, $0x3  }
0x25: {  	v3 =	vand.u32 $0x7, v3;
	v4 =	vand.u32 $0xFFFFFFC0, v4  }
0x26: {  	v3 =	vor.u32 v3, v4  }
0x27: {  	v4 =	vperm.xlane v3, v0;
	_ =	sdelay $0x1  }
0x28: {  	v4 =	vadd.s32 v1, v4;
	_ =	sdelay $0x4  }
0x29: {  	[hbm4b:s4+s2] =	stream.indirect_vreg.scatter [tilespmem:s11], [sflag:$0x4], $0x80, v4, vm0, $0xb8;
	[tilespmem:$0x18400] =	vst v63  }
0x2a: {  	s29 =	simm.s32 $0xC00;
	v3 =	vperm.xlane v3, v2  }
0x2b: {  	[hbm4b:s5+s2] =	stream.indirect_vreg.scatter [tilespmem:s29], [sflag:$0x4], $0x80, v4, vm0, $0xb8;
	[tilespmem:$0x18400] =	vst v63  }
0x2c: {  	v3 =	vadd.s32 v1, v3;
	s29 =	simm.s32 $0x1400  }
0x2d: {  	[hbm4b:s6+s2] =	stream.indirect_vreg.scatter [tilespmem:s29], [sflag:$0x4], $0x80, v4, vm0, $0xb8;
	[tilespmem:$0x18400] =	vst v63  }
0x2e: {  	s29 =	simm.s32 $0x1C00  }
0x2f: {  	[hbm4b:s7+s2] =	stream.indirect_vreg.scatter [tilespmem:s29], [sflag:$0x4], $0x80, v4, vm0, $0xb8;
	[tilespmem:$0x18400] =	vst v63  }
0x30: {  	s29 =	simm.s32 $0x2400  }
0x31: {  	[hbm4b:s4+s2] =	stream.indirect_vreg.scatter [tilespmem:s29], [sflag:$0x4], $0x80, v3, vm0, $0xb8;
	[tilespmem:$0x18400] =	vst v63  }
0x32: {  	s29 =	simm.s32 $0x2C00  }
0x33: {  	[hbm4b:s5+s2] =	stream.indirect_vreg.scatter [tilespmem:s29], [sflag:$0x4], $0x80, v3, vm0, $0xb8;
	[tilespmem:$0x18400] =	vst v63  }
0x34: {  	s29 =	simm.s32 $0x3400  }
0x35: {  	[hbm4b:s6+s2] =	stream.indirect_vreg.scatter [tilespmem:s29], [sflag:$0x4], $0x80, v3, vm0, $0xb8;
	[tilespmem:$0x18400] =	vst v63  }
0x36: {  	s29 =	simm.s32 $0x3C00  }
0x37: {  	[hbm4b:s7+s2] =	stream.indirect_vreg.scatter [tilespmem:s29], [sflag:$0x4], $0x80, v3, vm0, $0xb8;
	[tilespmem:$0x18400] =	vst v63  }
0x38: {  	v3 =	vld [tilespmem:$0x10];
	_ =	sdelay $0x4  }
0x39: {  	v49 =	vshll.u32 v3, $0x3  }
0x3a: {  	v3 =	vand.u32 $0x7, v3;
	v4 =	vand.u32 $0xFFFFFFC0, v49  }
0x3b: {  	v3 =	vor.u32 v3, v4  }
0x3c: {  	v4 =	vperm.xlane v3, v0;
	_ =	sdelay $0x1  }
0x3d: {  	v4 =	vadd.s32 v1, v4;
	_ =	sdelay $0x3  }
0x3e: {  	s29 =	simm.s32 $0x4400  }
0x3f: {  	[hbm4b:s4+s2] =	stream.indirect_vreg.scatter [tilespmem:s29], [sflag:$0x4], $0x80, v4, vm0, $0xb8;
	[tilespmem:$0x18400] =	vst v63  }
0x40: {  	v3 =	vperm.xlane v3, v2;
	s29 =	simm.s32 $0x4C00  }
0x41: {  	[hbm4b:s5+s2] =	stream.indirect_vreg.scatter [tilespmem:s29], [sflag:$0x4], $0x80, v4, vm0, $0xb8;
	[tilespmem:$0x18400] =	vst v63  }
0x42: {  	v3 =	vadd.s32 v1, v3;
	s29 =	simm.s32 $0x5400  }
0x43: {  	[hbm4b:s6+s2] =	stream.indirect_vreg.scatter [tilespmem:s29], [sflag:$0x4], $0x80, v4, vm0, $0xb8;
	[tilespmem:$0x18400] =	vst v63  }
0x44: {  	s29 =	simm.s32 $0x5C00  }
0x45: {  	[hbm4b:s7+s2] =	stream.indirect_vreg.scatter [tilespmem:s29], [sflag:$0x4], $0x80, v4, vm0, $0xb8;
	[tilespmem:$0x18400] =	vst v63  }
0x46: {  	s29 =	simm.s32 $0x6400  }
0x47: {  	[hbm4b:s4+s2] =	stream.indirect_vreg.scatter [tilespmem:s29], [sflag:$0x4], $0x80, v3, vm0, $0xb8;
	[tilespmem:$0x18400] =	vst v63  }
0x48: {  	s29 =	simm.s32 $0x6C00  }
0x49: {  	[hbm4b:s5+s2] =	stream.indirect_vreg.scatter [tilespmem:s29], [sflag:$0x4], $0x80, v3, vm0, $0xb8;
	[tilespmem:$0x18400] =	vst v63  }
0x4a: {  	s29 =	simm.s32 $0x7400  }
0x4b: {  	[hbm4b:s6+s2] =	stream.indirect_vreg.scatter [tilespmem:s29], [sflag:$0x4], $0x80, v3, vm0, $0xb8;
	[tilespmem:$0x18400] =	vst v63  }
0x4c: {  	s29 =	simm.s32 $0x7C00  }
0x4d: {  	[hbm4b:s7+s2] =	stream.indirect_vreg.scatter [tilespmem:s29], [sflag:$0x4], $0x80, v3, vm0, $0xb8;
	[tilespmem:$0x18400] =	vst v63  }
0x4e: {  	_ =	swait.ge [sflag:s30], $0x8000  }
0x4f: {  	[sflag:s30] =	ssyncset.done $0x0  }
0x50: {  	s29 =	rddreg [dreg:$0x6];
	[sflag:s30] =	ssyncadd.s32 $0xFFFF8000  }
0x51: {  	[tilespmem:s11], [sflag:$0x1] =	stream.linear.gather [hbm4b:s29+s2], $0x8000, $0x38;
	[tilespmem:$0x18400] =	vst v63  }
0x52: {  	_ =	swait.ge [sflag:s31], $0x8000  }
0x53: {  	[sflag:s31] =	ssyncset.done $0x0  }
0x54: {  	[sflag:s31] =	ssyncadd.s32 $0xFFFF8000  }
0x55: {  	v3 =	vld [tilespmem:$0x80];
	_ =	sdelay $0x4  }
0x56: {  	v50 =	vshll.u32 v3, $0x3  }
0x57: {  	v3 =	vand.u32 $0x7, v3;
	v4 =	vand.u32 $0xFFFFFFC0, v50  }
0x58: {  	v3 =	vor.u32 v3, v4  }
0x59: {  	v4 =	vperm.xlane v3, v0;
	_ =	sdelay $0x1  }
0x5a: {  	v4 =	vadd.s32 v1, v4;
	_ =	sdelay $0x4  }
0x5b: {  	[hbm4b:s4+s2] =	stream.indirect_vreg.scatter [tilespmem:s0], [sflag:$0x5], $0x80, v4, vm0, $0xb8;
	[tilespmem:$0x18400] =	vst v63  }
0x5c: {  	s29 =	simm.s32 $0x8C00;
	v3 =	vperm.xlane v3, v2  }
0x5d: {  	[hbm4b:s5+s2] =	stream.indirect_vreg.scatter [tilespmem:s29], [sflag:$0x5], $0x80, v4, vm0, $0xb8;
	[tilespmem:$0x18400] =	vst v63  }
0x5e: {  	v3 =	vadd.s32 v1, v3;
	s29 =	simm.s32 $0x9400  }
0x5f: {  	[hbm4b:s6+s2] =	stream.indirect_vreg.scatter [tilespmem:s29], [sflag:$0x5], $0x80, v4, vm0, $0xb8;
	[tilespmem:$0x18400] =	vst v63  }
0x60: {  	s29 =	simm.s32 $0x9C00  }
0x61: {  	[hbm4b:s7+s2] =	stream.indirect_vreg.scatter [tilespmem:s29], [sflag:$0x5], $0x80, v4, vm0, $0xb8;
	[tilespmem:$0x18400] =	vst v63  }
0x62: {  	s29 =	simm.s32 $0xA400  }
0x63: {  	[hbm4b:s4+s2] =	stream.indirect_vreg.scatter [tilespmem:s29], [sflag:$0x5], $0x80, v3, vm0, $0xb8;
	[tilespmem:$0x18400] =	vst v63  }
0x64: {  	s29 =	simm.s32 $0xAC00  }
0x65: {  	[hbm4b:s5+s2] =	stream.indirect_vreg.scatter [tilespmem:s29], [sflag:$0x5], $0x80, v3, vm0, $0xb8;
	[tilespmem:$0x18400] =	vst v63  }
0x66: {  	s29 =	simm.s32 $0xB400  }
0x67: {  	[hbm4b:s6+s2] =	stream.indirect_vreg.scatter [tilespmem:s29], [sflag:$0x5], $0x80, v3, vm0, $0xb8;
	[tilespmem:$0x18400] =	vst v63  }
0x68: {  	s29 =	simm.s32 $0xBC00  }
0x69: {  	[hbm4b:s7+s2] =	stream.indirect_vreg.scatter [tilespmem:s29], [sflag:$0x5], $0x80, v3, vm0, $0xb8;
	[tilespmem:$0x18400] =	vst v63  }
0x6a: {  	v3 =	vld [tilespmem:$0x90];
	_ =	sdelay $0x4  }
0x6b: {  	v51 =	vshll.u32 v3, $0x3  }
0x6c: {  	v3 =	vand.u32 $0x7, v3;
	v4 =	vand.u32 $0xFFFFFFC0, v51  }
0x6d: {  	v3 =	vor.u32 v3, v4  }
0x6e: {  	v4 =	vperm.xlane v3, v0;
	_ =	sdelay $0x1  }
0x6f: {  	v4 =	vadd.s32 v1, v4;
	_ =	sdelay $0x3  }
0x70: {  	s29 =	simm.s32 $0xC400  }
0x71: {  	[hbm4b:s4+s2] =	stream.indirect_vreg.scatter [tilespmem:s29], [sflag:$0x5], $0x80, v4, vm0, $0xb8;
	[tilespmem:$0x18400] =	vst v63  }
0x72: {  	v3 =	vperm.xlane v3, v2;
	s29 =	simm.s32 $0xCC00  }
0x73: {  	[hbm4b:s5+s2] =	stream.indirect_vreg.scatter [tilespmem:s29], [sflag:$0x5], $0x80, v4, vm0, $0xb8;
	[tilespmem:$0x18400] =	vst v63  }
0x74: {  	v3 =	vadd.s32 v1, v3;
	s29 =	simm.s32 $0xD400  }
0x75: {  	[hbm4b:s6+s2] =	stream.indirect_vreg.scatter [tilespmem:s29], [sflag:$0x5], $0x80, v4, vm0, $0xb8;
	[tilespmem:$0x18400] =	vst v63  }
0x76: {  	s29 =	simm.s32 $0xDC00  }
0x77: {  	[hbm4b:s7+s2] =	stream.indirect_vreg.scatter [tilespmem:s29], [sflag:$0x5], $0x80, v4, vm0, $0xb8;
	[tilespmem:$0x18400] =	vst v63  }
0x78: {  	s29 =	simm.s32 $0xE400  }
0x79: {  	[hbm4b:s4+s2] =	stream.indirect_vreg.scatter [tilespmem:s29], [sflag:$0x5], $0x80, v3, vm0, $0xb8;
	[tilespmem:$0x18400] =	vst v63  }
0x7a: {  	s29 =	simm.s32 $0xEC00  }
0x7b: {  	[hbm4b:s5+s2] =	stream.indirect_vreg.scatter [tilespmem:s29], [sflag:$0x5], $0x80, v3, vm0, $0xb8;
	[tilespmem:$0x18400] =	vst v63  }
0x7c: {  	s29 =	simm.s32 $0xF400  }
0x7d: {  	[hbm4b:s6+s2] =	stream.indirect_vreg.scatter [tilespmem:s29], [sflag:$0x5], $0x80, v3, vm0, $0xb8;
	[tilespmem:$0x18400] =	vst v63  }
0x7e: {  	s29 =	simm.s32 $0xFC00  }
0x7f: {  	[hbm4b:s7+s2] =	stream.indirect_vreg.scatter [tilespmem:s29], [sflag:$0x5], $0x80, v3, vm0, $0xb8;
	[tilespmem:$0x18400] =	vst v63  }
0x80: {  	_ =	swait.ge [sflag:s25], $0x8000  }
0x81: {  	[sflag:s25] =	ssyncset.done $0x0  }
0x82: {  	s29 =	rddreg [dreg:$0x7];
	[sflag:s25] =	ssyncadd.s32 $0xFFFF8000  }
0x83: {  	[tilespmem:s0], [sflag:$0x2] =	stream.linear.gather [hbm4b:s29+s2], $0x8000, $0x38;
	[tilespmem:$0x18400] =	vst v63  }
0x84: {  	_ =	swait.ge [sflag:s28], $0x8000  }
0x85: {  	[sflag:s28] =	ssyncset.done $0x0  }
0x86: {  	[sflag:s28] =	ssyncadd.s32 $0xFFFF8000  }
0x87: {  	v3 =	vld [tilespmem:$0x100];
	_ =	sdelay $0x4  }
0x88: {  	v52 =	vshll.u32 v3, $0x3  }
0x89: {  	v3 =	vand.u32 $0x7, v3;
	v4 =	vand.u32 $0xFFFFFFC0, v52  }
0x8a: {  	v3 =	vor.u32 v3, v4  }
0x8b: {  	v4 =	vperm.xlane v3, v0;
	_ =	sdelay $0x1  }
0x8c: {  	v4 =	vadd.s32 v1, v4;
	_ =	sdelay $0x4  }
0x8d: {  	[hbm4b:s4+s2] =	stream.indirect_vreg.scatter [tilespmem:s10], [sflag:$0x6], $0x80, v4, vm0, $0xb8;
	[tilespmem:$0x18400] =	vst v63  }
0x8e: {  	s29 =	simm.s32 $0x10C00;
	v3 =	vperm.xlane v3, v2  }
0x8f: {  	[hbm4b:s5+s2] =	stream.indirect_vreg.scatter [tilespmem:s29], [sflag:$0x6], $0x80, v4, vm0, $0xb8;
	[tilespmem:$0x18400] =	vst v63  }
0x90: {  	v3 =	vadd.s32 v1, v3  }
0x91: {  	[hbm4b:s6+s2] =	stream.indirect_vreg.scatter [tilespmem:s9], [sflag:$0x6], $0x80, v4, vm0, $0xb8;
	[tilespmem:$0x18400] =	vst v63  }
0x92: {  	_ = 	snop  }
0x93: {  	[hbm4b:s7+s2] =	stream.indirect_vreg.scatter [tilespmem:s12], [sflag:$0x6], $0x80, v4, vm0, $0xb8;
	[tilespmem:$0x18400] =	vst v63  }
0x94: {  	_ = 	snop  }
0x95: {  	[hbm4b:s4+s2] =	stream.indirect_vreg.scatter [tilespmem:s14], [sflag:$0x6], $0x80, v3, vm0, $0xb8;
	[tilespmem:$0x18400] =	vst v63  }
0x96: {  	_ = 	snop  }
0x97: {  	[hbm4b:s5+s2] =	stream.indirect_vreg.scatter [tilespmem:s15], [sflag:$0x6], $0x80, v3, vm0, $0xb8;
	[tilespmem:$0x18400] =	vst v63  }
0x98: {  	_ = 	snop  }
0x99: {  	[hbm4b:s6+s2] =	stream.indirect_vreg.scatter [tilespmem:s16], [sflag:$0x6], $0x80, v3, vm0, $0xb8;
	[tilespmem:$0x18400] =	vst v63  }
0x9a: {  	_ = 	snop  }
0x9b: {  	[hbm4b:s7+s2] =	stream.indirect_vreg.scatter [tilespmem:s17], [sflag:$0x6], $0x80, v3, vm0, $0xb8;
	[tilespmem:$0x18400] =	vst v63  }
0x9c: {  	v3 =	vld [tilespmem:$0x110];
	_ =	sdelay $0x4  }
0x9d: {  	v53 =	vshll.u32 v3, $0x3  }
0x9e: {  	v3 =	vand.u32 $0x7, v3;
	v4 =	vand.u32 $0xFFFFFFC0, v53  }
0x9f: {  	v3 =	vor.u32 v3, v4  }
0xa0: {  	v4 =	vperm.xlane v3, v0;
	_ =	sdelay $0x1  }
0xa1: {  	v4 =	vadd.s32 v1, v4;
	_ =	sdelay $0x4  }
0xa2: {  	[hbm4b:s4+s2] =	stream.indirect_vreg.scatter [tilespmem:s18], [sflag:$0x6], $0x80, v4, vm0, $0xb8;
	[tilespmem:$0x18400] =	vst v63  }
0xa3: {  	v3 =	vperm.xlane v3, v2  }
0xa4: {  	[hbm4b:s5+s2] =	stream.indirect_vreg.scatter [tilespmem:s19], [sflag:$0x6], $0x80, v4, vm0, $0xb8;
	[tilespmem:$0x18400] =	vst v63  }
0xa5: {  	v3 =	vadd.s32 v1, v3  }
0xa6: {  	[hbm4b:s6+s2] =	stream.indirect_vreg.scatter [tilespmem:s20], [sflag:$0x6], $0x80, v4, vm0, $0xb8;
	[tilespmem:$0x18400] =	vst v63  }
0xa7: {  	_ = 	snop  }
0xa8: {  	[hbm4b:s7+s2] =	stream.indirect_vreg.scatter [tilespmem:s21], [sflag:$0x6], $0x80, v4, vm0, $0xb8;
	[tilespmem:$0x18400] =	vst v63  }
0xa9: {  	_ = 	snop  }
0xaa: {  	[hbm4b:s4+s2] =	stream.indirect_vreg.scatter [tilespmem:s22], [sflag:$0x6], $0x80, v3, vm0, $0xb8;
	[tilespmem:$0x18400] =	vst v63  }
0xab: {  	_ = 	snop  }
0xac: {  	[hbm4b:s5+s2] =	stream.indirect_vreg.scatter [tilespmem:s23], [sflag:$0x6], $0x80, v3, vm0, $0xb8;
	[tilespmem:$0x18400] =	vst v63  }
0xad: {  	_ = 	snop  }
0xae: {  	[hbm4b:s6+s2] =	stream.indirect_vreg.scatter [tilespmem:s24], [sflag:$0x6], $0x80, v3, vm0, $0xb8;
	[tilespmem:$0x18400] =	vst v63  }
0xaf: {  	_ = 	snop  }
0xb0: {  	[hbm4b:s7+s2] =	stream.indirect_vreg.scatter [tilespmem:s26], [sflag:$0x6], $0x80, v3, vm0, $0xb8;
	[tilespmem:$0x18400] =	vst v63  }
0xb1: {  	_ =	swait.ge [sflag:s13], $0x8000  }
0xb2: {  	[sflag:s13] =	ssyncset.done $0x0  }
0xb3: {  	s1 =	rddreg [dreg:$0x8];
	[sflag:s13] =	ssyncadd.s32 $0xFFFF8000  }
0xb4: {  	[tilespmem:s10], [sflag:$0x3] =	stream.linear.gather [hbm4b:s1+s2], $0x8000, $0x38;
	[tilespmem:$0x18400] =	vst v63  }
0xb5: {  	_ =	swait.ge [sflag:s3], $0x8000  }
0xb6: {  	[sflag:s3] =	ssyncset.done $0x0  }
0xb7: {  	[sflag:s3] =	ssyncadd.s32 $0xFFFF8000  }
0xb8: {  	v3 =	vld [tilespmem:$0x180];
	_ =	sdelay $0x4  }
0xb9: {  	v54 =	vshll.u32 v3, $0x3  }
0xba: {  	v3 =	vand.u32 $0x7, v3;
	v4 =	vand.u32 $0xFFFFFFC0, v54  }
0xbb: {  	v3 =	vor.u32 v3, v4  }
0xbc: {  	v4 =	vperm.xlane v3, v0;
	_ =	sdelay $0x1  }
0xbd: {  	v4 =	vadd.s32 v1, v4;
	_ =	sdelay $0x4  }
0xbe: {  	[hbm4b:s4+s2] =	stream.indirect_vreg.scatter [tilespmem:s11], [sflag:$0x4], $0x80, v4, vm0, $0xb8;
	[tilespmem:$0x18400] =	vst v63  }
0xbf: {  	s1 =	simm.s32 $0xC00;
	v3 =	vperm.xlane v3, v2  }
0xc0: {  	[hbm4b:s5+s2] =	stream.indirect_vreg.scatter [tilespmem:s1], [sflag:$0x4], $0x80, v4, vm0, $0xb8;
	[tilespmem:$0x18400] =	vst v63  }
0xc1: {  	v3 =	vadd.s32 v1, v3;
	s1 =	simm.s32 $0x1400  }
0xc2: {  	[hbm4b:s6+s2] =	stream.indirect_vreg.scatter [tilespmem:s1], [sflag:$0x4], $0x80, v4, vm0, $0xb8;
	[tilespmem:$0x18400] =	vst v63  }
0xc3: {  	s1 =	simm.s32 $0x1C00  }
0xc4: {  	[hbm4b:s7+s2] =	stream.indirect_vreg.scatter [tilespmem:s1], [sflag:$0x4], $0x80, v4, vm0, $0xb8;
	[tilespmem:$0x18400] =	vst v63  }
0xc5: {  	s1 =	simm.s32 $0x2400  }
0xc6: {  	[hbm4b:s4+s2] =	stream.indirect_vreg.scatter [tilespmem:s1], [sflag:$0x4], $0x80, v3, vm0, $0xb8;
	[tilespmem:$0x18400] =	vst v63  }
0xc7: {  	s1 =	simm.s32 $0x2C00  }
0xc8: {  	[hbm4b:s5+s2] =	stream.indirect_vreg.scatter [tilespmem:s1], [sflag:$0x4], $0x80, v3, vm0, $0xb8;
	[tilespmem:$0x18400] =	vst v63  }
0xc9: {  	s1 =	simm.s32 $0x3400  }
0xca: {  	[hbm4b:s6+s2] =	stream.indirect_vreg.scatter [tilespmem:s1], [sflag:$0x4], $0x80, v3, vm0, $0xb8;
	[tilespmem:$0x18400] =	vst v63  }
0xcb: {  	s1 =	simm.s32 $0x3C00  }
0xcc: {  	[hbm4b:s7+s2] =	stream.indirect_vreg.scatter [tilespmem:s1], [sflag:$0x4], $0x80, v3, vm0, $0xb8;
	[tilespmem:$0x18400] =	vst v63  }
0xcd: {  	v3 =	vld [tilespmem:$0x190];
	_ =	sdelay $0x4  }
0xce: {  	v55 =	vshll.u32 v3, $0x3  }
0xcf: {  	v3 =	vand.u32 $0x7, v3;
	v4 =	vand.u32 $0xFFFFFFC0, v55  }
0xd0: {  	v3 =	vor.u32 v3, v4  }
0xd1: {  	v4 =	vperm.xlane v3, v0;
	_ =	sdelay $0x1  }
0xd2: {  	v4 =	vadd.s32 v1, v4;
	_ =	sdelay $0x3  }
0xd3: {  	s1 =	simm.s32 $0x4400  }
0xd4: {  	[hbm4b:s4+s2] =	stream.indirect_vreg.scatter [tilespmem:s1], [sflag:$0x4], $0x80, v4, vm0, $0xb8;
	[tilespmem:$0x18400] =	vst v63  }
0xd5: {  	v3 =	vperm.xlane v3, v2;
	s1 =	simm.s32 $0x4C00  }
0xd6: {  	[hbm4b:s5+s2] =	stream.indirect_vreg.scatter [tilespmem:s1], [sflag:$0x4], $0x80, v4, vm0, $0xb8;
	[tilespmem:$0x18400] =	vst v63  }
0xd7: {  	v3 =	vadd.s32 v1, v3;
	s1 =	simm.s32 $0x5400  }
0xd8: {  	[hbm4b:s6+s2] =	stream.indirect_vreg.scatter [tilespmem:s1], [sflag:$0x4], $0x80, v4, vm0, $0xb8;
	[tilespmem:$0x18400] =	vst v63  }
0xd9: {  	s1 =	simm.s32 $0x5C00  }
0xda: {  	[hbm4b:s7+s2] =	stream.indirect_vreg.scatter [tilespmem:s1], [sflag:$0x4], $0x80, v4, vm0, $0xb8;
	[tilespmem:$0x18400] =	vst v63  }
0xdb: {  	s1 =	simm.s32 $0x6400  }
0xdc: {  	[hbm4b:s4+s2] =	stream.indirect_vreg.scatter [tilespmem:s1], [sflag:$0x4], $0x80, v3, vm0, $0xb8;
	[tilespmem:$0x18400] =	vst v63  }
0xdd: {  	s1 =	simm.s32 $0x6C00  }
0xde: {  	[hbm4b:s5+s2] =	stream.indirect_vreg.scatter [tilespmem:s1], [sflag:$0x4], $0x80, v3, vm0, $0xb8;
	[tilespmem:$0x18400] =	vst v63  }
0xdf: {  	s1 =	simm.s32 $0x7400  }
0xe0: {  	[hbm4b:s6+s2] =	stream.indirect_vreg.scatter [tilespmem:s1], [sflag:$0x4], $0x80, v3, vm0, $0xb8;
	[tilespmem:$0x18400] =	vst v63  }
0xe1: {  	s1 =	simm.s32 $0x7C00  }
0xe2: {  	[hbm4b:s7+s2] =	stream.indirect_vreg.scatter [tilespmem:s1], [sflag:$0x4], $0x80, v3, vm0, $0xb8;
	[tilespmem:$0x18400] =	vst v63  }
0xe3: {  	_ =	swait.ge [sflag:s30], $0x8000  }
0xe4: {  	[sflag:s30] =	ssyncset.done $0x0  }
0xe5: {  	s1 =	rddreg [dreg:$0x9];
	[sflag:s30] =	ssyncadd.s32 $0xFFFF8000  }
0xe6: {  	[tilespmem:s11], [sflag:$0x1] =	stream.linear.gather [hbm4b:s1+s2], $0x8000, $0x38;
	[tilespmem:$0x18400] =	vst v63  }
0xe7: {  	_ =	swait.ge [sflag:s31], $0x8000  }
0xe8: {  	[sflag:s31] =	ssyncset.done $0x0  }
0xe9: {  	[sflag:s31] =	ssyncadd.s32 $0xFFFF8000  }
0xea: {  	v3 =	vld [tilespmem:$0x200];
	_ =	sdelay $0x4  }
0xeb: {  	v56 =	vshll.u32 v3, $0x3  }
0xec: {  	v3 =	vand.u32 $0x7, v3;
	v4 =	vand.u32 $0xFFFFFFC0, v56  }
0xed: {  	v3 =	vor.u32 v3, v4  }
0xee: {  	v4 =	vperm.xlane v3, v0;
	_ =	sdelay $0x1  }
0xef: {  	v4 =	vadd.s32 v1, v4;
	_ =	sdelay $0x4  }
0xf0: {  	[hbm4b:s4+s2] =	stream.indirect_vreg.scatter [tilespmem:s0], [sflag:$0x5], $0x80, v4, vm0, $0xb8;
	[tilespmem:$0x18400] =	vst v63  }
0xf1: {  	s1 =	simm.s32 $0x8C00;
	v3 =	vperm.xlane v3, v2  }
0xf2: {  	[hbm4b:s5+s2] =	stream.indirect_vreg.scatter [tilespmem:s1], [sflag:$0x5], $0x80, v4, vm0, $0xb8;
	[tilespmem:$0x18400] =	vst v63  }
0xf3: {  	v3 =	vadd.s32 v1, v3;
	s1 =	simm.s32 $0x9400  }
0xf4: {  	[hbm4b:s6+s2] =	stream.indirect_vreg.scatter [tilespmem:s1], [sflag:$0x5], $0x80, v4, vm0, $0xb8;
	[tilespmem:$0x18400] =	vst v63  }
0xf5: {  	s1 =	simm.s32 $0x9C00  }
0xf6: {  	[hbm4b:s7+s2] =	stream.indirect_vreg.scatter [tilespmem:s1], [sflag:$0x5], $0x80, v4, vm0, $0xb8;
	[tilespmem:$0x18400] =	vst v63  }
0xf7: {  	s1 =	simm.s32 $0xA400  }
0xf8: {  	[hbm4b:s4+s2] =	stream.indirect_vreg.scatter [tilespmem:s1], [sflag:$0x5], $0x80, v3, vm0, $0xb8;
	[tilespmem:$0x18400] =	vst v63  }
0xf9: {  	s1 =	simm.s32 $0xAC00  }
0xfa: {  	[hbm4b:s5+s2] =	stream.indirect_vreg.scatter [tilespmem:s1], [sflag:$0x5], $0x80, v3, vm0, $0xb8;
	[tilespmem:$0x18400] =	vst v63  }
0xfb: {  	s1 =	simm.s32 $0xB400  }
0xfc: {  	[hbm4b:s6+s2] =	stream.indirect_vreg.scatter [tilespmem:s1], [sflag:$0x5], $0x80, v3, vm0, $0xb8;
	[tilespmem:$0x18400] =	vst v63  }
0xfd: {  	s1 =	simm.s32 $0xBC00  }
0xfe: {  	[hbm4b:s7+s2] =	stream.indirect_vreg.scatter [tilespmem:s1], [sflag:$0x5], $0x80, v3, vm0, $0xb8;
	[tilespmem:$0x18400] =	vst v63  }
0xff: {  	v3 =	vld [tilespmem:$0x210];
	_ =	sdelay $0x4  }
0x100: {  	v57 =	vshll.u32 v3, $0x3  }
0x101: {  	v3 =	vand.u32 $0x7, v3;
	v4 =	vand.u32 $0xFFFFFFC0, v57  }
0x102: {  	v3 =	vor.u32 v3, v4  }
0x103: {  	v4 =	vperm.xlane v3, v0;
	_ =	sdelay $0x1  }
0x104: {  	v4 =	vadd.s32 v1, v4;
	_ =	sdelay $0x3  }
0x105: {  	s1 =	simm.s32 $0xC400  }
0x106: {  	[hbm4b:s4+s2] =	stream.indirect_vreg.scatter [tilespmem:s1], [sflag:$0x5], $0x80, v4, vm0, $0xb8;
	[tilespmem:$0x18400] =	vst v63  }
0x107: {  	v3 =	vperm.xlane v3, v2;
	s1 =	simm.s32 $0xCC00  }
0x108: {  	[hbm4b:s5+s2] =	stream.indirect_vreg.scatter [tilespmem:s1], [sflag:$0x5], $0x80, v4, vm0, $0xb8;
	[tilespmem:$0x18400] =	vst v63  }
0x109: {  	v3 =	vadd.s32 v1, v3;
	s1 =	simm.s32 $0xD400  }
0x10a: {  	[hbm4b:s6+s2] =	stream.indirect_vreg.scatter [tilespmem:s1], [sflag:$0x5], $0x80, v4, vm0, $0xb8;
	[tilespmem:$0x18400] =	vst v63  }
0x10b: {  	s1 =	simm.s32 $0xDC00  }
0x10c: {  	[hbm4b:s7+s2] =	stream.indirect_vreg.scatter [tilespmem:s1], [sflag:$0x5], $0x80, v4, vm0, $0xb8;
	[tilespmem:$0x18400] =	vst v63  }
0x10d: {  	s1 =	simm.s32 $0xE400  }
0x10e: {  	[hbm4b:s4+s2] =	stream.indirect_vreg.scatter [tilespmem:s1], [sflag:$0x5], $0x80, v3, vm0, $0xb8;
	[tilespmem:$0x18400] =	vst v63  }
0x10f: {  	s1 =	simm.s32 $0xEC00  }
0x110: {  	[hbm4b:s5+s2] =	stream.indirect_vreg.scatter [tilespmem:s1], [sflag:$0x5], $0x80, v3, vm0, $0xb8;
	[tilespmem:$0x18400] =	vst v63  }
0x111: {  	s1 =	simm.s32 $0xF400  }
0x112: {  	[hbm4b:s6+s2] =	stream.indirect_vreg.scatter [tilespmem:s1], [sflag:$0x5], $0x80, v3, vm0, $0xb8;
	[tilespmem:$0x18400] =	vst v63  }
0x113: {  	s1 =	simm.s32 $0xFC00  }
0x114: {  	[hbm4b:s7+s2] =	stream.indirect_vreg.scatter [tilespmem:s1], [sflag:$0x5], $0x80, v3, vm0, $0xb8;
	[tilespmem:$0x18400] =	vst v63  }
0x115: {  	_ =	swait.ge [sflag:s25], $0x8000  }
0x116: {  	[sflag:s25] =	ssyncset.done $0x0  }
0x117: {  	s1 =	rddreg [dreg:$0xa];
	[sflag:s25] =	ssyncadd.s32 $0xFFFF8000  }
0x118: {  	[tilespmem:s0], [sflag:$0x2] =	stream.linear.gather [hbm4b:s1+s2], $0x8000, $0x38;
	[tilespmem:$0x18400] =	vst v63  }
0x119: {  	_ =	swait.ge [sflag:s28], $0x8000  }
0x11a: {  	[sflag:s28] =	ssyncset.done $0x0  }
0x11b: {  	[sflag:s28] =	ssyncadd.s32 $0xFFFF8000  }
0x11c: {  	v3 =	vld [tilespmem:$0x280];
	_ =	sdelay $0x4  }
0x11d: {  	v58 =	vshll.u32 v3, $0x3  }
0x11e: {  	v3 =	vand.u32 $0x7, v3;
	v4 =	vand.u32 $0xFFFFFFC0, v58  }
0x11f: {  	v3 =	vor.u32 v3, v4  }
0x120: {  	v4 =	vperm.xlane v3, v0;
	_ =	sdelay $0x1  }
0x121: {  	v4 =	vadd.s32 v1, v4;
	_ =	sdelay $0x4  }
0x122: {  	[hbm4b:s4+s2] =	stream.indirect_vreg.scatter [tilespmem:s10], [sflag:$0x6], $0x80, v4, vm0, $0xb8;
	[tilespmem:$0x18400] =	vst v63  }
0x123: {  	v3 =	vperm.xlane v3, v2  }
0x124: {  	[hbm4b:s5+s2] =	stream.indirect_vreg.scatter [tilespmem:s29], [sflag:$0x6], $0x80, v4, vm0, $0xb8;
	[tilespmem:$0x18400] =	vst v63  }
0x125: {  	v3 =	vadd.s32 v1, v3  }
0x126: {  	[hbm4b:s6+s2] =	stream.indirect_vreg.scatter [tilespmem:s9], [sflag:$0x6], $0x80, v4, vm0, $0xb8;
	[tilespmem:$0x18400] =	vst v63  }
0x127: {  	_ = 	snop  }
0x128: {  	[hbm4b:s7+s2] =	stream.indirect_vreg.scatter [tilespmem:s12], [sflag:$0x6], $0x80, v4, vm0, $0xb8;
	[tilespmem:$0x18400] =	vst v63  }
0x129: {  	_ = 	snop  }
0x12a: {  	[hbm4b:s4+s2] =	stream.indirect_vreg.scatter [tilespmem:s14], [sflag:$0x6], $0x80, v3, vm0, $0xb8;
	[tilespmem:$0x18400] =	vst v63  }
0x12b: {  	_ = 	snop  }
0x12c: {  	[hbm4b:s5+s2] =	stream.indirect_vreg.scatter [tilespmem:s15], [sflag:$0x6], $0x80, v3, vm0, $0xb8;
	[tilespmem:$0x18400] =	vst v63  }
0x12d: {  	_ = 	snop  }
0x12e: {  	[hbm4b:s6+s2] =	stream.indirect_vreg.scatter [tilespmem:s16], [sflag:$0x6], $0x80, v3, vm0, $0xb8;
	[tilespmem:$0x18400] =	vst v63  }
0x12f: {  	_ = 	snop  }
0x130: {  	[hbm4b:s7+s2] =	stream.indirect_vreg.scatter [tilespmem:s17], [sflag:$0x6], $0x80, v3, vm0, $0xb8;
	[tilespmem:$0x18400] =	vst v63  }
0x131: {  	v3 =	vld [tilespmem:$0x290];
	_ =	sdelay $0x4  }
0x132: {  	v59 =	vshll.u32 v3, $0x3  }
0x133: {  	v3 =	vand.u32 $0x7, v3;
	v4 =	vand.u32 $0xFFFFFFC0, v59  }
0x134: {  	v3 =	vor.u32 v3, v4  }
0x135: {  	v4 =	vperm.xlane v3, v0;
	_ =	sdelay $0x1  }
0x136: {  	v4 =	vadd.s32 v1, v4;
	_ =	sdelay $0x4  }
0x137: {  	[hbm4b:s4+s2] =	stream.indirect_vreg.scatter [tilespmem:s18], [sflag:$0x6], $0x80, v4, vm0, $0xb8;
	[tilespmem:$0x18400] =	vst v63  }
0x138: {  	v3 =	vperm.xlane v3, v2  }
0x139: {  	[hbm4b:s5+s2] =	stream.indirect_vreg.scatter [tilespmem:s19], [sflag:$0x6], $0x80, v4, vm0, $0xb8;
	[tilespmem:$0x18400] =	vst v63  }
0x13a: {  	v3 =	vadd.s32 v1, v3  }
0x13b: {  	[hbm4b:s6+s2] =	stream.indirect_vreg.scatter [tilespmem:s20], [sflag:$0x6], $0x80, v4, vm0, $0xb8;
	[tilespmem:$0x18400] =	vst v63  }
0x13c: {  	_ = 	snop  }
0x13d: {  	[hbm4b:s7+s2] =	stream.indirect_vreg.scatter [tilespmem:s21], [sflag:$0x6], $0x80, v4, vm0, $0xb8;
	[tilespmem:$0x18400] =	vst v63  }
0x13e: {  	_ = 	snop  }
0x13f: {  	[hbm4b:s4+s2] =	stream.indirect_vreg.scatter [tilespmem:s22], [sflag:$0x6], $0x80, v3, vm0, $0xb8;
	[tilespmem:$0x18400] =	vst v63  }
0x140: {  	_ = 	snop  }
0x141: {  	[hbm4b:s5+s2] =	stream.indirect_vreg.scatter [tilespmem:s23], [sflag:$0x6], $0x80, v3, vm0, $0xb8;
	[tilespmem:$0x18400] =	vst v63  }
0x142: {  	_ = 	snop  }
0x143: {  	[hbm4b:s6+s2] =	stream.indirect_vreg.scatter [tilespmem:s24], [sflag:$0x6], $0x80, v3, vm0, $0xb8;
	[tilespmem:$0x18400] =	vst v63  }
0x144: {  	_ = 	snop  }
0x145: {  	[hbm4b:s7+s2] =	stream.indirect_vreg.scatter [tilespmem:s26], [sflag:$0x6], $0x80, v3, vm0, $0xb8;
	[tilespmem:$0x18400] =	vst v63  }
0x146: {  	_ =	swait.ge [sflag:s3], $0x8000  }
0x147: {  	[sflag:s3] =	ssyncset.done $0x0  }
0x148: {  	[sflag:s3] =	ssyncadd.s32 $0xFFFF8000  }
0x149: {  	v3 =	vld [tilespmem:$0x300];
	_ =	sdelay $0x4  }
0x14a: {  	v60 =	vshll.u32 v3, $0x3  }
0x14b: {  	v3 =	vand.u32 $0x7, v3;
	v4 =	vand.u32 $0xFFFFFFC0, v60  }
0x14c: {  	v3 =	vor.u32 v3, v4  }
0x14d: {  	v4 =	vperm.xlane v3, v0;
	_ =	sdelay $0x1  }
0x14e: {  	v4 =	vadd.s32 v1, v4;
	_ =	sdelay $0x4  }
0x14f: {  	[hbm4b:s4+s2] =	stream.indirect_vreg.scatter [tilespmem:s11], [sflag:$0x4], $0x80, v4, vm0, $0xb8;
	[tilespmem:$0x18400] =	vst v63  }
0x150: {  	s29 =	simm.s32 $0xC00;
	v3 =	vperm.xlane v3, v2  }
0x151: {  	[hbm4b:s5+s2] =	stream.indirect_vreg.scatter [tilespmem:s29], [sflag:$0x4], $0x80, v4, vm0, $0xb8;
	[tilespmem:$0x18400] =	vst v63  }
0x152: {  	v3 =	vadd.s32 v1, v3;
	s29 =	simm.s32 $0x1400  }
0x153: {  	[hbm4b:s6+s2] =	stream.indirect_vreg.scatter [tilespmem:s29], [sflag:$0x4], $0x80, v4, vm0, $0xb8;
	[tilespmem:$0x18400] =	vst v63  }
0x154: {  	s29 =	simm.s32 $0x1C00  }
0x155: {  	[hbm4b:s7+s2] =	stream.indirect_vreg.scatter [tilespmem:s29], [sflag:$0x4], $0x80, v4, vm0, $0xb8;
	[tilespmem:$0x18400] =	vst v63  }
0x156: {  	s29 =	simm.s32 $0x2400  }
0x157: {  	[hbm4b:s4+s2] =	stream.indirect_vreg.scatter [tilespmem:s29], [sflag:$0x4], $0x80, v3, vm0, $0xb8;
	[tilespmem:$0x18400] =	vst v63  }
0x158: {  	s29 =	simm.s32 $0x2C00  }
0x159: {  	[hbm4b:s5+s2] =	stream.indirect_vreg.scatter [tilespmem:s29], [sflag:$0x4], $0x80, v3, vm0, $0xb8;
	[tilespmem:$0x18400] =	vst v63  }
0x15a: {  	s29 =	simm.s32 $0x3400  }
0x15b: {  	[hbm4b:s6+s2] =	stream.indirect_vreg.scatter [tilespmem:s29], [sflag:$0x4], $0x80, v3, vm0, $0xb8;
	[tilespmem:$0x18400] =	vst v63  }
0x15c: {  	s29 =	simm.s32 $0x3C00  }
0x15d: {  	[hbm4b:s7+s2] =	stream.indirect_vreg.scatter [tilespmem:s29], [sflag:$0x4], $0x80, v3, vm0, $0xb8;
	[tilespmem:$0x18400] =	vst v63  }
0x15e: {  	v3 =	vld [tilespmem:$0x310];
	_ =	sdelay $0x4  }
0x15f: {  	v61 =	vshll.u32 v3, $0x3  }
0x160: {  	v3 =	vand.u32 $0x7, v3;
	v4 =	vand.u32 $0xFFFFFFC0, v61  }
0x161: {  	v3 =	vor.u32 v3, v4  }
0x162: {  	v4 =	vperm.xlane v3, v0;
	_ =	sdelay $0x1  }
0x163: {  	v4 =	vadd.s32 v1, v4;
	_ =	sdelay $0x3  }
0x164: {  	s29 =	simm.s32 $0x4400  }
0x165: {  	[hbm4b:s4+s2] =	stream.indirect_vreg.scatter [tilespmem:s29], [sflag:$0x4], $0x80, v4, vm0, $0xb8;
	[tilespmem:$0x18400] =	vst v63  }
0x166: {  	v3 =	vperm.xlane v3, v2;
	s29 =	simm.s32 $0x4C00  }
0x167: {  	[hbm4b:s5+s2] =	stream.indirect_vreg.scatter [tilespmem:s29], [sflag:$0x4], $0x80, v4, vm0, $0xb8;
	[tilespmem:$0x18400] =	vst v63  }
0x168: {  	v3 =	vadd.s32 v1, v3;
	s29 =	simm.s32 $0x5400  }
0x169: {  	[hbm4b:s6+s2] =	stream.indirect_vreg.scatter [tilespmem:s29], [sflag:$0x4], $0x80, v4, vm0, $0xb8;
	[tilespmem:$0x18400] =	vst v63  }
0x16a: {  	s29 =	simm.s32 $0x5C00  }
0x16b: {  	[hbm4b:s7+s2] =	stream.indirect_vreg.scatter [tilespmem:s29], [sflag:$0x4], $0x80, v4, vm0, $0xb8;
	[tilespmem:$0x18400] =	vst v63  }
0x16c: {  	s29 =	simm.s32 $0x6400  }
0x16d: {  	[hbm4b:s4+s2] =	stream.indirect_vreg.scatter [tilespmem:s29], [sflag:$0x4], $0x80, v3, vm0, $0xb8;
	[tilespmem:$0x18400] =	vst v63  }
0x16e: {  	s29 =	simm.s32 $0x6C00  }
0x16f: {  	[hbm4b:s5+s2] =	stream.indirect_vreg.scatter [tilespmem:s29], [sflag:$0x4], $0x80, v3, vm0, $0xb8;
	[tilespmem:$0x18400] =	vst v63  }
0x170: {  	s29 =	simm.s32 $0x7400  }
0x171: {  	[hbm4b:s6+s2] =	stream.indirect_vreg.scatter [tilespmem:s29], [sflag:$0x4], $0x80, v3, vm0, $0xb8;
	[tilespmem:$0x18400] =	vst v63  }
0x172: {  	s29 =	simm.s32 $0x7C00  }
0x173: {  	[hbm4b:s7+s2] =	stream.indirect_vreg.scatter [tilespmem:s29], [sflag:$0x4], $0x80, v3, vm0, $0xb8;
	[tilespmem:$0x18400] =	vst v63  }
0x174: {  	_ =	swait.ge [sflag:s31], $0x8000  }
0x175: {  	[sflag:s31] =	ssyncset.done $0x0  }
0x176: {  	[sflag:s31] =	ssyncadd.s32 $0xFFFF8000  }
0x177: {  	v3 =	vld [tilespmem:$0x380];
	_ =	sdelay $0x4  }
0x178: {  	v62 =	vshll.u32 v3, $0x3  }
0x179: {  	v3 =	vand.u32 $0x7, v3;
	v4 =	vand.u32 $0xFFFFFFC0, v62  }
0x17a: {  	v3 =	vor.u32 v3, v4  }
0x17b: {  	v4 =	vperm.xlane v3, v0;
	_ =	sdelay $0x1  }
0x17c: {  	v4 =	vadd.s32 v1, v4;
	_ =	sdelay $0x4  }
0x17d: {  	[hbm4b:s4+s2] =	stream.indirect_vreg.scatter [tilespmem:s0], [sflag:$0x5], $0x80, v4, vm0, $0xb8;
	[tilespmem:$0x18400] =	vst v63  }
0x17e: {  	s29 =	simm.s32 $0x8C00;
	v3 =	vperm.xlane v3, v2  }
0x17f: {  	[hbm4b:s5+s2] =	stream.indirect_vreg.scatter [tilespmem:s29], [sflag:$0x5], $0x80, v4, vm0, $0xb8;
	[tilespmem:$0x18400] =	vst v63  }
0x180: {  	s1 =	simm.s32 $0x9400;
	v3 =	vadd.s32 v1, v3  }
0x181: {  	[hbm4b:s6+s2] =	stream.indirect_vreg.scatter [tilespmem:s1], [sflag:$0x5], $0x80, v4, vm0, $0xb8;
	[tilespmem:$0x18400] =	vst v63  }
0x182: {  	s29 =	simm.s32 $0x9C00  }
0x183: {  	[hbm4b:s7+s2] =	stream.indirect_vreg.scatter [tilespmem:s29], [sflag:$0x5], $0x80, v4, vm0, $0xb8;
	[tilespmem:$0x18400] =	vst v63  }
0x184: {  	s1 =	simm.s32 $0xA400  }
0x185: {  	[hbm4b:s4+s2] =	stream.indirect_vreg.scatter [tilespmem:s1], [sflag:$0x5], $0x80, v3, vm0, $0xb8;
	[tilespmem:$0x18400] =	vst v63  }
0x186: {  	s29 =	simm.s32 $0xAC00  }
0x187: {  	[hbm4b:s5+s2] =	stream.indirect_vreg.scatter [tilespmem:s29], [sflag:$0x5], $0x80, v3, vm0, $0xb8;
	[tilespmem:$0x18400] =	vst v63  }
0x188: {  	s1 =	simm.s32 $0xB400  }
0x189: {  	[hbm4b:s6+s2] =	stream.indirect_vreg.scatter [tilespmem:s1], [sflag:$0x5], $0x80, v3, vm0, $0xb8;
	[tilespmem:$0x18400] =	vst v63  }
0x18a: {  	s29 =	simm.s32 $0xBC00  }
0x18b: {  	[hbm4b:s7+s2] =	stream.indirect_vreg.scatter [tilespmem:s29], [sflag:$0x5], $0x80, v3, vm0, $0xb8;
	[tilespmem:$0x18400] =	vst v63  }
0x18c: {  	v3 =	vld [tilespmem:$0x390];
	_ =	sdelay $0x4  }
0x18d: {  	v63 =	vshll.u32 v3, $0x3  }
0x18e: {  	v3 =	vand.u32 $0x7, v3;
	v4 =	vand.u32 $0xFFFFFFC0, v63  }
0x18f: {  	v3 =	vor.u32 v3, v4  }
0x190: {  	v4 =	vperm.xlane v3, v0;
	_ =	sdelay $0x1  }
0x191: {  	v4 =	vadd.s32 v1, v4;
	_ =	sdelay $0x3  }
0x192: {  	s1 =	simm.s32 $0xC400  }
0x193: {  	[hbm4b:s4+s2] =	stream.indirect_vreg.scatter [tilespmem:s1], [sflag:$0x5], $0x80, v4, vm0, $0xb8;
	[tilespmem:$0x18400] =	vst v63  }
0x194: {  	s29 =	simm.s32 $0xCC00;
	v3 =	vperm.xlane v3, v2  }
0x195: {  	[hbm4b:s5+s2] =	stream.indirect_vreg.scatter [tilespmem:s29], [sflag:$0x5], $0x80, v4, vm0, $0xb8;
	[tilespmem:$0x18400] =	vst v63  }
0x196: {  	v3 =	vadd.s32 v1, v3;
	s1 =	simm.s32 $0xD400  }
0x197: {  	[hbm4b:s6+s2] =	stream.indirect_vreg.scatter [tilespmem:s1], [sflag:$0x5], $0x80, v4, vm0, $0xb8;
	[tilespmem:$0x18400] =	vst v63  }
0x198: {  	s29 =	simm.s32 $0xDC00  }
0x199: {  	[hbm4b:s7+s2] =	stream.indirect_vreg.scatter [tilespmem:s29], [sflag:$0x5], $0x80, v4, vm0, $0xb8;
	[tilespmem:$0x18400] =	vst v63  }
0x19a: {  	s1 =	simm.s32 $0xE400  }
0x19b: {  	[hbm4b:s4+s2] =	stream.indirect_vreg.scatter [tilespmem:s1], [sflag:$0x5], $0x80, v3, vm0, $0xb8;
	[tilespmem:$0x18400] =	vst v63  }
0x19c: {  	s29 =	simm.s32 $0xEC00  }
0x19d: {  	[hbm4b:s5+s2] =	stream.indirect_vreg.scatter [tilespmem:s29], [sflag:$0x5], $0x80, v3, vm0, $0xb8;
	[tilespmem:$0x18400] =	vst v63  }
0x19e: {  	s1 =	simm.s32 $0xF400  }
0x19f: {  	[hbm4b:s6+s2] =	stream.indirect_vreg.scatter [tilespmem:s1], [sflag:$0x5], $0x80, v3, vm0, $0xb8;
	[tilespmem:$0x18400] =	vst v63  }
0x1a0: {  	s29 =	simm.s32 $0xFC00  }
0x1a1: {  	[hbm4b:s7+s2] =	stream.indirect_vreg.scatter [tilespmem:s29], [sflag:$0x5], $0x80, v3, vm0, $0xb8;
	[tilespmem:$0x18400] =	vst v63  }
0x1a2: {  	_ =	swait.ge [sflag:s13], $0x8000  }
0x1a3: {  	[sflag:s13] =	ssyncset.done $0x0  }
0x1a4: {  	[sflag:s13] =	ssyncadd.s32 $0xFFFF8000  }
0x1a5: {  	p0 =	sne.s32 s8, $0x1;
	_ =	swait.ge [sflag:s30], $0x8000  }
.Ltmp0:
0x1a6: {  	[sflag:s30] =	ssyncset.done $0x0;
	(pc) =	sbr.rel @p0 .LBB2_1-.Ltmp0, $4  }
0x1a7: {  	[sflag:s30] =	ssyncadd.s32 $0xFFFF8000  }
0x1a8: {  	_ =	swait.ge [sflag:s25], $0x8000  }
0x1a9: {  	[sflag:s25] =	ssyncset.done $0x0  }
0x1aa: {  	s8 =	sadd.s32 $0xFFFFFFFF, s8;
	[sflag:s25] =	ssyncadd.s32 $0xFFFF8000  }
0x1ab: {  	_ =	sfence.sel $0x180000  }
0x1ac: {  	[bflag:$0x0] =	sbarrier.arrive $0xFFFF  }
0x1ad: {  	_ =	strace $0x90000047  }
0x1ae: {  	s0 =	stileid.u32;
	[bflag:$0x2] =	sbarrier.arrive $0xFFFF  }
0x1af: {  	p0 =	sne.s32 s0, $0x0;
	s0 =	rddreg [dreg:$0x2]  }
0x1b0: {  	s0 =	sadd.s32 @!p0 $0x100000, s0  }
0x1b1: {  	[sflag:s0] =	ssyncadd.tile.s32 @!p0 $0x1;
	_ =	shalt  }
.Lfunc_end2:
_tile_overlayer_lowered:
.L_overlay_start_2:
0x1b2: {  	(tag) =	ssettag $0x2  }
0x1b3: {  	s0 =	rddreg [dreg:$0x0];
	s2 =	stileid.u32  }
0x1b4: {  	s1 =	rddreg [dreg:$0x1];
	p0 =	sne.s32 s2, $0x0  }
0x1b5: {  	s3 =	rddreg [dreg:$0x2];
	[bflag:$0x3] =	sbarrier.arrive $0xFFFF;
	s2 =	simm.s32 @!p0 $0x1C07  }
0x1b6: {  	[timem:s3], [sflag:s2] =	dma.local @!p0 [hbm:s0], s1  }
0x1b7: {  	s0 =	simm.s32 @!p0 $0x7  }
0x1b8: {  	_ =	swait.ge @!p0 [sflag:s0], s1  }
0x1b9: {  	s1 =	ssub.s32 @!p0 $0x0, s1;
	[sflag:s0] =	ssyncset.done @!p0 $0x0  }
0x1ba: {  	[sflag:s0] =	ssyncadd.s32 @!p0 s1  }
0x1bb: {  	[bflag:$0x3] =	sbarrier.arrive $0xFFFF  }
0x1bc: {  	_ =	shalt  }

// kernel: kernel.8.cloned.1.call-start
scs
__scs_entry_jumppad:
0x0: {  	(pc) =	sbr.rel $0x88, $3  }
0x1: {  	(tag) =	ssettag $0x0;
	lr =	simm.s32 $0x1  }
0x2: {  	[smem:$0x3F9B] =	sst lr;
	_ =	strace $0xD0000000  }
0x3: {  	_ = 	snop  }
0x4: {  	_ = 	snop  }
0x5: {  	_ = 	snop  }
0x6: {  	_ = 	snop  }
0x7: {  	_ = 	snop  }
__scs_overlays_trampoline_lowered:
0x8: {  	[smem:$0x3FAA] =	sst s0  }
0x9: {  	[smem:$0x3FAB] =	sst s1  }
0xa: {  	[smem:$0x3FAC] =	sst s2  }
0xb: {  	[smem:$0x3FAD] =	sst s3  }
0xc: {  	[smem:$0x3FAE] =	sst s4  }
0xd: {  	[smem:$0x3FAF] =	sst s5  }
0xe: {  	[smem:$0x3FB0] =	sst s6  }
0xf: {  	[smem:$0x3FB1] =	sst s7  }
0x10: {  	[smem:$0x3FB2] =	sst s8  }
0x11: {  	[smem:$0x3FB3] =	sst s9;
	s0 =	simm.s32 @!p0 $0x0  }
0x12: {  	s1 =	sld [smem:$0x3F99];
	s0 =	simm.s32 @p0 $0x1  }
0x13: {  	[smem:$0x3FB4] =	sst s0;
	s0 =	simm.s32 @!p1 $0x0  }
0x14: {  	s2 =	sld [smem:$0x3F98];
	s0 =	simm.s32 @p1 $0x1  }
0x15: {  	[smem:$0x3FB5] =	sst s0;
	s0 =	simm.s32 @!p2 $0x0  }
0x16: {  	s3 =	sld [smem:$0x3FDB];
	s0 =	simm.s32 @p2 $0x1  }
0x17: {  	s4 =	simm.s32 $0x1BF5;
	[smem:$0x3FB7] =	sst s0  }
0x18: {  	s0 =	sld [smem:$0x3F9A];
	_ =	swait.ge [sflag:s4], $0x0  }
0x19: {  	s7 =	sld [smem:$0x3F9B]  }
0x1a: {  	s8 =	sadd.s32 $0xFFFFE003, lr  }
0x1b: {  	s9 =	sadd.s32 $0xFFFFFEF7, lr;
	s5 =	simm.s32 $0xFFFFFFFF;
	p2 =	slt.u32 s8, $0xFFFFF086  }
0x1c: {  	p1 =	slt.u32 s9, $0xF7A;
	s5 =	simm.s32 @!p2 $0x0  }
0x1d: {  	s5 =	simm.s32 @p1 $0x1;
	p0 =	seq.s32 s7, s2  }
0x1e: {  	s7 =	smul.u32 @!p0 $0xF7A, s2;
	p2 =	seq.s32 @!p0 s5, $0x0  }
0x1f: {  	s9 =	smul.u32 $0xF7A, s1;
	s8 =	simm.s32 @!p0 $0x1BF5;
	p2 =	por !p2, p0  }
0x20: {  	[sflag:s8] =	ssyncset.s32 @!p0 $0xFFFFF086;
	s6 =	sadd.s32 @!p0 s3, s7;
	s7 =	simm.s32 @!p0 $0x108  }
0x21: {  	s3 =	sadd.s32 s3, s9;
	s6 =	sadd.s32 @!p0 $0x88, s6;
	s7 =	simm.s32 @p2 $0x1082  }
0x22: {  	[simem:s7], [sflag:s8] =	dma.local @!p0 [hbm:s6], $0xF7A  }
0x23: {  	s9 =	sor.u32 $0xD0000000, s2;
	s6 =	simm.s32 $0x108;
	_ =	swait.ge @!p0 [sflag:s8], $0x0  }
0x24: {  	s3 =	sadd.s32 $0x88, s3;
	s6 =	simm.s32 @!p1 $0x1082;
	[sflag:s4] =	ssyncset.s32 $0xFFFFF086  }
0x25: {  	[simem:s6], [sflag:s4] =	dma.local [hbm:s3], $0xF7A  }
0x26: {  	[smem:$0x3F9B] =	sst s1;
	(tag) =	ssettag s2;
	_ =	strace s9  }
0x27: {  	s1 =	sld [smem:$0x3FAB]  }
0x28: {  	s2 =	sld [smem:$0x3FAC]  }
0x29: {  	s4 =	sld [smem:$0x3FAE]  }
0x2a: {  	p0 =	seq.s32 s5, $0x0;
	s5 =	sld [smem:$0x3FAF]  }
0x2b: {  	s6 =	sld [smem:$0x3FB0]  }
0x2c: {  	s7 =	sld [smem:$0x3FB1]  }
0x2d: {  	s3 =	simm.s32 $0x108;
	s8 =	sld [smem:$0x3FB2]  }
0x2e: {  	s3 =	simm.s32 @!p0 $0x1082;
	s9 =	sld [smem:$0x3FB3]  }
0x2f: {  	lr =	sadd.s32 s0, s3;
	s0 =	sld [smem:$0x3FAA]  }
0x30: {  	s3 =	sld [smem:$0x3FAD]  }
0x31: {  	[smem:$0x3FB6] =	sst s10  }
0x32: {  	s10 =	sld [smem:$0x3FB4];
	_ =	sdelay $0x3  }
0x33: {  	p0 =	seq.s32 s10, $0x1;
	s10 =	sld [smem:$0x3FB6];
	_ =	sdelay $0x3  }
0x34: {  	[smem:$0x3FB6] =	sst s10  }
0x35: {  	s10 =	sld [smem:$0x3FB5];
	_ =	sdelay $0x3  }
0x36: {  	p1 =	seq.s32 s10, $0x1;
	s10 =	sld [smem:$0x3FB6];
	_ =	sdelay $0x3  }
0x37: {  	[smem:$0x3FB6] =	sst s10  }
0x38: {  	s10 =	sld [smem:$0x3FB7]  }
0x39: {  	_ = 	snop;
	(pc) =	sbr.ind lr, $3  }
0x3a: {  	_ = 	snop  }
0x3b: {  	_ = 	snop  }
0x3c: {  	p2 =	seq.s32 s10, $0x1;
	s10 =	sld [smem:$0x3FB6]  }
0x3d: {  	_ =	shalt  }
0x3e: {  	_ =	shalt  }
0x3f: {  	_ =	shalt  }
0x40: {  	_ =	shalt  }
0x41: {  	_ =	shalt  }
0x42: {  	_ =	shalt  }
0x43: {  	_ =	shalt  }
0x44: {  	_ =	shalt  }
0x45: {  	_ =	shalt  }
0x46: {  	_ =	shalt  }
0x47: {  	_ =	shalt  }
0x48: {  	_ =	shalt  }
0x49: {  	_ =	shalt  }
0x4a: {  	_ =	shalt  }
0x4b: {  	_ =	shalt  }
0x4c: {  	_ =	shalt  }
0x4d: {  	_ =	shalt  }
0x4e: {  	_ =	shalt  }
0x4f: {  	_ =	shalt  }
0x50: {  	_ =	shalt  }
0x51: {  	_ =	shalt  }
0x52: {  	_ =	shalt  }
0x53: {  	_ =	shalt  }
0x54: {  	_ =	shalt  }
0x55: {  	_ =	shalt  }
0x56: {  	_ =	shalt  }
0x57: {  	_ =	shalt  }
0x58: {  	_ =	shalt  }
0x59: {  	_ =	shalt  }
0x5a: {  	_ =	shalt  }
0x5b: {  	_ =	shalt  }
0x5c: {  	_ =	shalt  }
0x5d: {  	_ =	shalt  }
0x5e: {  	_ =	shalt  }
0x5f: {  	_ =	shalt  }
0x60: {  	_ =	shalt  }
0x61: {  	_ =	shalt  }
0x62: {  	_ =	shalt  }
0x63: {  	_ =	shalt  }
0x64: {  	_ =	shalt  }
0x65: {  	_ =	shalt  }
0x66: {  	_ =	shalt  }
0x67: {  	_ =	shalt  }
0x68: {  	_ =	shalt  }
0x69: {  	_ =	shalt  }
0x6a: {  	_ =	shalt  }
0x6b: {  	_ =	shalt  }
0x6c: {  	_ =	shalt  }
0x6d: {  	_ =	shalt  }
0x6e: {  	_ =	shalt  }
0x6f: {  	_ =	shalt  }
0x70: {  	_ =	shalt  }
0x71: {  	_ =	shalt  }
0x72: {  	_ =	shalt  }
0x73: {  	_ =	shalt  }
0x74: {  	_ =	shalt  }
0x75: {  	_ =	shalt  }
0x76: {  	_ =	shalt  }
0x77: {  	_ =	shalt  }
0x78: {  	_ =	shalt  }
0x79: {  	_ =	shalt  }
0x7a: {  	_ =	shalt  }
0x7b: {  	_ =	shalt  }
0x7c: {  	_ =	shalt  }
0x7d: {  	_ =	shalt  }
0x7e: {  	_ =	shalt  }
0x7f: {  	_ =	shalt  }
0x80: {  	_ =	shalt  }
0x81: {  	_ =	shalt  }
0x82: {  	_ =	shalt  }
0x83: {  	_ =	shalt  }
0x84: {  	_ =	shalt  }
0x85: {  	_ =	shalt  }
0x86: {  	_ =	shalt  }
0x87: {  	_ =	shalt  }
.Lfunc_end0:
.L_simem_size_0:
called_computation.1_lowered:
.L_overlay_start_0:
0x88: {  	s2 =	sld [smem:$0x3FD9]  }
0x89: {  	s3 =	sld [smem:$0x3FFE];
	_ =	sdelay $0x1  }
0x8a: {  	s1 =	srdreg.scid  }
0x8b: {  	s0 =	sand.u32 $0x1, s1  }
0x8c: {  	s17 =	sshll.u32 s0, $0xA;
	s2 =	sadd.s32 s3, s2  }
0x8d: {  	s2 =	sadd.s32 s2, s17  }
0x8e: {  	[smem:$0x3FC2] =	sst s2  }
0x8f: {  	_ = 	snop  }
0x90: {  	s2 =	sld [smem:$0x3FD0];
	(tm) =	ssettm $0x1  }
0x91: {  	s18 =	sld [smem:$0x3FFB];
	_ =	sdelay $0x3  }
0x92: {  	_ =	strace s18  }
0x93: {  	s3 =	sld [smem:$0x3FFC];
	_ =	sdelay $0x3  }
0x94: {  	_ =	strace s3  }
0x95: {  	s3 =	sld [smem:$0x3FFD];
	_ =	sdelay $0x3  }
0x96: {  	_ =	strace s3  }
0x97: {  	_ =	strace $0x8FFFFFFF  }
0x98: {  	s19 =	sld [smem:$0x3FDB];
	_ =	sdelay $0x1  }
0x99: {  	s4 =	simm.s32 $_scs_section_size  }
0x9a: {  	s5 =	simm.s32 $_size__tile_overlayer_lowered;
	s6 =	simm.s32 $_tile_overlayer_lowered  }
0x9b: {  	s22 =	simm.s32 $0x1BFF;
	s21 =	sshll.u32 s6, $0x1;
	s3 =	sadd.s32 s4, s19  }
0x9c: {  	s7 =	simm.s32 $0x0;
	s20 =	sshll.u32 s5, $0x1;
	s5 =	sadd.s32 s21, s3  }
0x9d: {  	[timem:s7], [sflag:s22] =	dma.local [hbm:s5], s20  }
0x9e: {  	_ =	swait.ge [sflag:s22], s20  }
0x9f: {  	s4 =	ssub.s32 $0x0, s20;
	[sflag:s22] =	ssyncset.done $0x0  }
0xa0: {  	[sflag:s22] =	ssyncadd.s32 s4;
	_ =	sdelay $0x1  }
0xa1: {  	s23 =	simm.s32 $0x1B8B  }
0xa2: {  	_ =	swait.ge [sflag:s23], $0x1  }
0xa3: {  	[sflag:s23] =	ssyncset.done $0x0  }
0xa4: {  	s25 =	simm.s32 $0x1B8E;
	s24 =	sld [smem:$0x3FFE];
	[sflag:s23] =	ssyncadd.s32 $0xFFFFFFFF  }
0xa5: {  	s26 =	simm.s32 $execute0_lowered;
	[smem:$0x3FD2] =	sst s25  }
0xa6: {  	s5 =	sshll.u32 s26, $0x1;
	_ =	strace $0x80000049;
	[dreg:$0x1] =	wrdreg $0xFFFFFFFF  }
0xa7: {  	s28 =	simm.s32 $_size_execute0_lowered;
	s3 =	sadd.s32 s3, s5;
	[dreg:$0x0] =	wrdreg $0x0  }
0xa8: {  	s5 =	sshll.u32 s28, $0x1;
	[dreg:$0x2] =	wrdreg s3  }
0xa9: {  	[dreg:$0x3] =	wrdreg s5  }
0xaa: {  	[dreg:$0x4] =	wrdreg $0xC0  }
0xab: {  	_ =	task [dreg:s7], $0x5FFFF  }
0xac: {  	[dreg:$0x1] =	wrdreg $0xFFFFFFFF  }
0xad: {  	[dreg:$0x0] =	wrdreg $0x60  }
0xae: {  	[dreg:$0x2] =	wrdreg s24  }
0xaf: {  	[dreg:$0x3] =	wrdreg s2  }
0xb0: {  	[dreg:$0x4] =	wrdreg $0x9  }
0xb1: {  	_ =	task.clear_ibuf [dreg:s7], $0x5FFFF;
	_ =	strace $0x90000049  }
0xb2: {  	s29 =	simm.s32 $0x9;
	_ =	strace $0x8000004B  }
0xb3: {  	_ =	swait.ge [sflag:s29], $0x1  }
0xb4: {  	[sflag:s29] =	ssyncadd.s32 $0xFFFFFFFF  }
0xb5: {  	_ =	strace $0x9000004B  }
0xb6: {  	_ =	sfence  }
0xb7: {  	s30 =	sld [smem:$0x0];
	_ =	sdelay $0x2  }
0xb8: {  	s31 =	sshll.u32 s1, $0xD;
	s1 =	sshrl.u32 s1, $0x2  }
0xb9: {  	s3 =	sand.u32 $0x4000, s31;
	s1 =	sadd.s32 s1, s30  }
0xba: {  	s0 =	sor.u32 s3, s0;
	s1 =	sshll.u32 s1, $0x11  }
0xbb: {  	s0 =	sor.u32 s1, s0  }
0xbc: {  	s0 =	sadd.s32 $0x8F2B, s0  }
0xbd: {  	[sflag:s0] =	ssyncadd.remote.s32 $0x1  }
0xbe: {  	_ =	sfence.sel $0xFFFF  }
0xbf: {  	[dreg:$0x0] =	wrdreg $0xFFFFFFFF;
	(pc) =	sbr.abs _section_cstart, $3  }
0xc0: {  	[dreg:$0x1] =	wrdreg $0xFFFFFFFF  }
0xc1: {  	_ =	task.clear_ibuf [dreg:s7], $0x2FFFF;
	_ =	strace $0x9FFFFFFF  }
0xc2: {  	(tm) =	ssettm $0x7FFFFFFF  }
0xc3: {  	_ =	shalt  }
tec
execute0_lowered:
.L_overlay_start_1:
0x0: {  	(tag) =	ssettag $0x1  }
0x1: {  	s0 =	srdreg.scid;
	s1 =	rddreg [dreg:$0x0]  }
0x2: {  	s2 =	stileid.u32;
	s4 =	rddreg [dreg:$0x1]  }
0x3: {  	s9 =	simm.s32 $0x4;
	s29 =	simm.s32 $0x3;
	s30 =	simm.s32 $0x2900  }
0x4: {  	s31 =	simm.s32 $0x3100;
	s18 =	simm.s32 $0x11100;
	s19 =	simm.s32 $0x11900  }
0x5: {  	s10 =	simm.s32 $0x12900;
	s11 =	simm.s32 $0x13100;
	s12 =	simm.s32 $0x13900  }
0x6: {  	s13 =	simm.s32 $0x14100;
	s14 =	simm.s32 $0x14900;
	s15 =	simm.s32 $0x15100  }
0x7: {  	s16 =	simm.s32 $0x15900;
	s17 =	simm.s32 $0x16100;
	s0 =	sand.u32 $0x1, s0  }
0x8: {  	s28 =	simm.s32 $0x17900;
	s2 =	sshll.u32 s2, $0x9;
	s3 =	sshll.u32 s0, $0x8  }
0x9: {  	s6 =	sadd.s32 $0x111600, s1;
	s7 =	sadd.s32 $0x111700, s1;
	s3 =	sor.u32 s3, s2  }
0xa: {  	s2 =	simm.s32 $0x0;
	s5 =	sshrl.u32 s3, $0x3;
	s3 =	sshll.u32 s3, $0x7  }
0xb: {  	[smem:$0x7FF] =	sst s2;
	s5 =	sadd.s32 s5, s1;
	s8 =	sadd.s32 s4, s3  }
0xc: {  	_ =	strace $0x8000004A;
	s5 =	sadd.s32 $0x111000, s5;
	[dreg:$0xb] =	wrdreg s8  }
0xd: {  	s0 =	ssub.s32 $0x2, s0;
	s3 =	sadd.s32 $0x1000, s8;
	[dreg:$0x3] =	wrdreg s5  }
0xe: {  	s21 =	sshrl.u32 s0, $0x1;
	s20 =	sadd.s32 $0x2000, s8;
	[dreg:$0x4] =	wrdreg s3  }
0xf: {  	s0 =	ssub.s32 s0, s21;
	s22 =	sadd.s32 $0x3000, s8;
	[dreg:$0x5] =	wrdreg s20  }
0x10: {  	s21 =	simm.s32 $0x2;
	s23 =	sadd.s32 $0x4000, s8;
	[dreg:$0x6] =	wrdreg s22  }
0x11: {  	s4 =	sadd.s32 $0x111400, s1;
	s24 =	sadd.s32 $0x5000, s8;
	[dreg:$0x7] =	wrdreg s23  }
0x12: {  	s25 =	sadd.s32 $0x6000, s8;
	s26 =	sadd.s32 $0x7000, s8;
	[dreg:$0x8] =	wrdreg s24  }
0x13: {  	v2 =	vlaneseq.u32;
	s8 =	smax.u32 s0, $0x1;
	s5 =	sadd.s32 $0x111500, s1;
	[dreg:$0x9] =	wrdreg s25  }
0x14: {  	vm0 =	vmmov $0xffff;
	v1 =	vshrl.u32 v2, $0x3;
	[dreg:$0xa] =	wrdreg s26;
	s20 =	simm.s32 $0x1;
	s26 =	simm.s32 $0x100  }
0x15: {  	v0 =	vand.u32 $0x7, v2;
	v2 =	vor.u32 $0x8, v2;
	v1 =	vmul.u32 $0x8, v1;
	s22 =	simm.s32 $0x10900;
	s24 =	simm.s32 $0x16900;
	s25 =	simm.s32 $0x17100  }
.LBB2_1:
0x16: {  	s23 =	rddreg [dreg:$0x3]  }
0x17: {  	[tilespmem:s2], [sflag:$0x4] =	stream.linear.gather [hbm4b:s23+s2], $0x100, $0x38;
	[tilespmem:$0x18100] =	vst v63  }
0x18: {  	_ =	swait.ge [sflag:s9], $0x100  }
0x19: {  	[sflag:s9] =	ssyncset.done $0x0  }
0x1a: {  	[sflag:s9] =	ssyncadd.s32 $0xFFFFFF00  }
0x1b: {  	v3 =	vld [tilespmem:$0x0];
	_ =	sdelay $0x4  }
0x1c: {  	v4 =	vshll.u32 v3, $0x3  }
0x1d: {  	v3 =	vand.u32 $0x7, v3;
	v4 =	vand.u32 $0xFFFFFFC0, v4  }
0x1e: {  	v3 =	vor.u32 v3, v4  }
0x1f: {  	v4 =	vperm.xlane v3, v0;
	_ =	sdelay $0x1  }
0x20: {  	v4 =	vadd.s32 v1, v4;
	_ =	sdelay $0x4  }
0x21: {  	[tilespmem:s26], [sflag:$0x1] =	stream.indirect_vreg.gather [hbm4b:s4+s2], $0x80, v4, vm0, $0xb8;
	[tilespmem:$0x18100] =	vst v63  }
0x22: {  	s0 =	simm.s32 $0x900;
	v3 =	vperm.xlane v3, v2  }
0x23: {  	[tilespmem:s0], [sflag:$0x1] =	stream.indirect_vreg.gather [hbm4b:s5+s2], $0x80, v4, vm0, $0xb8;
	[tilespmem:$0x18100] =	vst v63  }
0x24: {  	s3 =	simm.s32 $0x1100;
	v3 =	vadd.s32 v1, v3  }
0x25: {  	[tilespmem:s3], [sflag:$0x1] =	stream.indirect_vreg.gather [hbm4b:s6+s2], $0x80, v4, vm0, $0xb8;
	[tilespmem:$0x18100] =	vst v63  }
0x26: {  	s23 =	simm.s32 $0x1900  }
0x27: {  	[tilespmem:s23], [sflag:$0x1] =	stream.indirect_vreg.gather [hbm4b:s7+s2], $0x80, v4, vm0, $0xb8;
	[tilespmem:$0x18100] =	vst v63  }
0x28: {  	s1 =	simm.s32 $0x2100  }
0x29: {  	[tilespmem:s1], [sflag:$0x1] =	stream.indirect_vreg.gather [hbm4b:s4+s2], $0x80, v3, vm0, $0xb8;
	[tilespmem:$0x18100] =	vst v63  }
0x2a: {  	_ = 	snop  }
0x2b: {  	[tilespmem:s30], [sflag:$0x1] =	stream.indirect_vreg.gather [hbm4b:s5+s2], $0x80, v3, vm0, $0xb8;
	[tilespmem:$0x18100] =	vst v63  }
0x2c: {  	_ = 	snop  }
0x2d: {  	[tilespmem:s31], [sflag:$0x1] =	stream.indirect_vreg.gather [hbm4b:s6+s2], $0x80, v3, vm0, $0xb8;
	[tilespmem:$0x18100] =	vst v63  }
0x2e: {  	s3 =	simm.s32 $0x3900  }
0x2f: {  	[tilespmem:s3], [sflag:$0x1] =	stream.indirect_vreg.gather [hbm4b:s7+s2], $0x80, v3, vm0, $0xb8;
	[tilespmem:$0x18100] =	vst v63  }
0x30: {  	v3 =	vld [tilespmem:$0x10];
	_ =	sdelay $0x4  }
0x31: {  	v49 =	vshll.u32 v3, $0x3  }
0x32: {  	v3 =	vand.u32 $0x7, v3;
	v4 =	vand.u32 $0xFFFFFFC0, v49  }
0x33: {  	v3 =	vor.u32 v3, v4  }
0x34: {  	v4 =	vperm.xlane v3, v0;
	_ =	sdelay $0x1  }
0x35: {  	v4 =	vadd.s32 v1, v4;
	_ =	sdelay $0x3  }
0x36: {  	s23 =	simm.s32 $0x4100  }
0x37: {  	[tilespmem:s23], [sflag:$0x1] =	stream.indirect_vreg.gather [hbm4b:s4+s2], $0x80, v4, vm0, $0xb8;
	[tilespmem:$0x18100] =	vst v63  }
0x38: {  	s1 =	simm.s32 $0x4900;
	v3 =	vperm.xlane v3, v2  }
0x39: {  	[tilespmem:s1], [sflag:$0x1] =	stream.indirect_vreg.gather [hbm4b:s5+s2], $0x80, v4, vm0, $0xb8;
	[tilespmem:$0x18100] =	vst v63  }
0x3a: {  	s3 =	simm.s32 $0x5100;
	v3 =	vadd.s32 v1, v3  }
0x3b: {  	[tilespmem:s3], [sflag:$0x1] =	stream.indirect_vreg.gather [hbm4b:s6+s2], $0x80, v4, vm0, $0xb8;
	[tilespmem:$0x18100] =	vst v63  }
0x3c: {  	s23 =	simm.s32 $0x5900  }
0x3d: {  	[tilespmem:s23], [sflag:$0x1] =	stream.indirect_vreg.gather [hbm4b:s7+s2], $0x80, v4, vm0, $0xb8;
	[tilespmem:$0x18100] =	vst v63  }
0x3e: {  	s1 =	simm.s32 $0x6100  }
0x3f: {  	[tilespmem:s1], [sflag:$0x1] =	stream.indirect_vreg.gather [hbm4b:s4+s2], $0x80, v3, vm0, $0xb8;
	[tilespmem:$0x18100] =	vst v63  }
0x40: {  	s3 =	simm.s32 $0x6900  }
0x41: {  	[tilespmem:s3], [sflag:$0x1] =	stream.indirect_vreg.gather [hbm4b:s5+s2], $0x80, v3, vm0, $0xb8;
	[tilespmem:$0x18100] =	vst v63  }
0x42: {  	s23 =	simm.s32 $0x7100  }
0x43: {  	[tilespmem:s23], [sflag:$0x1] =	stream.indirect_vreg.gather [hbm4b:s6+s2], $0x80, v3, vm0, $0xb8;
	[tilespmem:$0x18100] =	vst v63  }
0x44: {  	s1 =	simm.s32 $0x7900  }
0x45: {  	[tilespmem:s1], [sflag:$0x1] =	stream.indirect_vreg.gather [hbm4b:s7+s2], $0x80, v3, vm0, $0xb8;
	[tilespmem:$0x18100] =	vst v63  }
0x46: {  	v3 =	vld [tilespmem:$0x20];
	_ =	sdelay $0x4  }
0x47: {  	v50 =	vshll.u32 v3, $0x3  }
0x48: {  	v3 =	vand.u32 $0x7, v3;
	v4 =	vand.u32 $0xFFFFFFC0, v50  }
0x49: {  	v3 =	vor.u32 v3, v4  }
0x4a: {  	v4 =	vperm.xlane v3, v0;
	_ =	sdelay $0x1  }
0x4b: {  	v4 =	vadd.s32 v1, v4;
	_ =	sdelay $0x3  }
0x4c: {  	s0 =	simm.s32 $0x8100  }
0x4d: {  	[tilespmem:s0], [sflag:$0x2] =	stream.indirect_vreg.gather [hbm4b:s4+s2], $0x80, v4, vm0, $0xb8;
	[tilespmem:$0x18100] =	vst v63  }
0x4e: {  	s1 =	simm.s32 $0x8900;
	v3 =	vperm.xlane v3, v2  }
0x4f: {  	[tilespmem:s1], [sflag:$0x2] =	stream.indirect_vreg.gather [hbm4b:s5+s2], $0x80, v4, vm0, $0xb8;
	[tilespmem:$0x18100] =	vst v63  }
0x50: {  	s3 =	simm.s32 $0x9100;
	v3 =	vadd.s32 v1, v3  }
0x51: {  	[tilespmem:s3], [sflag:$0x2] =	stream.indirect_vreg.gather [hbm4b:s6+s2], $0x80, v4, vm0, $0xb8;
	[tilespmem:$0x18100] =	vst v63  }
0x52: {  	s23 =	simm.s32 $0x9900  }
0x53: {  	[tilespmem:s23], [sflag:$0x2] =	stream.indirect_vreg.gather [hbm4b:s7+s2], $0x80, v4, vm0, $0xb8;
	[tilespmem:$0x18100] =	vst v63  }
0x54: {  	s3 =	simm.s32 $0xA100  }
0x55: {  	[tilespmem:s3], [sflag:$0x2] =	stream.indirect_vreg.gather [hbm4b:s4+s2], $0x80, v3, vm0, $0xb8;
	[tilespmem:$0x18100] =	vst v63  }
0x56: {  	s23 =	simm.s32 $0xA900  }
0x57: {  	[tilespmem:s23], [sflag:$0x2] =	stream.indirect_vreg.gather [hbm4b:s5+s2], $0x80, v3, vm0, $0xb8;
	[tilespmem:$0x18100] =	vst v63  }
0x58: {  	s3 =	simm.s32 $0xB100  }
0x59: {  	[tilespmem:s3], [sflag:$0x2] =	stream.indirect_vreg.gather [hbm4b:s6+s2], $0x80, v3, vm0, $0xb8;
	[tilespmem:$0x18100] =	vst v63  }
0x5a: {  	s23 =	simm.s32 $0xB900  }
0x5b: {  	[tilespmem:s23], [sflag:$0x2] =	stream.indirect_vreg.gather [hbm4b:s7+s2], $0x80, v3, vm0, $0xb8;
	[tilespmem:$0x18100] =	vst v63  }
0x5c: {  	v3 =	vld [tilespmem:$0x30];
	_ =	sdelay $0x4  }
0x5d: {  	v51 =	vshll.u32 v3, $0x3  }
0x5e: {  	v3 =	vand.u32 $0x7, v3;
	v4 =	vand.u32 $0xFFFFFFC0, v51  }
0x5f: {  	v3 =	vor.u32 v3, v4  }
0x60: {  	v4 =	vperm.xlane v3, v0;
	_ =	sdelay $0x1  }
0x61: {  	v4 =	vadd.s32 v1, v4;
	_ =	sdelay $0x3  }
0x62: {  	s3 =	simm.s32 $0xC100  }
0x63: {  	[tilespmem:s3], [sflag:$0x2] =	stream.indirect_vreg.gather [hbm4b:s4+s2], $0x80, v4, vm0, $0xb8;
	[tilespmem:$0x18100] =	vst v63  }
0x64: {  	s23 =	simm.s32 $0xC900;
	v3 =	vperm.xlane v3, v2  }
0x65: {  	[tilespmem:s23], [sflag:$0x2] =	stream.indirect_vreg.gather [hbm4b:s5+s2], $0x80, v4, vm0, $0xb8;
	[tilespmem:$0x18100] =	vst v63  }
0x66: {  	v3 =	vadd.s32 v1, v3;
	s3 =	simm.s32 $0xD100  }
0x67: {  	[tilespmem:s3], [sflag:$0x2] =	stream.indirect_vreg.gather [hbm4b:s6+s2], $0x80, v4, vm0, $0xb8;
	[tilespmem:$0x18100] =	vst v63  }
0x68: {  	s23 =	simm.s32 $0xD900  }
0x69: {  	[tilespmem:s23], [sflag:$0x2] =	stream.indirect_vreg.gather [hbm4b:s7+s2], $0x80, v4, vm0, $0xb8;
	[tilespmem:$0x18100] =	vst v63  }
0x6a: {  	s3 =	simm.s32 $0xE100  }
0x6b: {  	[tilespmem:s3], [sflag:$0x2] =	stream.indirect_vreg.gather [hbm4b:s4+s2], $0x80, v3, vm0, $0xb8;
	[tilespmem:$0x18100] =	vst v63  }
0x6c: {  	s23 =	simm.s32 $0xE900  }
0x6d: {  	[tilespmem:s23], [sflag:$0x2] =	stream.indirect_vreg.gather [hbm4b:s5+s2], $0x80, v3, vm0, $0xb8;
	[tilespmem:$0x18100] =	vst v63  }
0x6e: {  	s3 =	simm.s32 $0xF100  }
0x6f: {  	[tilespmem:s3], [sflag:$0x2] =	stream.indirect_vreg.gather [hbm4b:s6+s2], $0x80, v3, vm0, $0xb8;
	[tilespmem:$0x18100] =	vst v63  }
0x70: {  	s23 =	simm.s32 $0xF900  }
0x71: {  	[tilespmem:s23], [sflag:$0x2] =	stream.indirect_vreg.gather [hbm4b:s7+s2], $0x80, v3, vm0, $0xb8;
	[tilespmem:$0x18100] =	vst v63  }
0x72: {  	v3 =	vld [tilespmem:$0x40];
	_ =	sdelay $0x4  }
0x73: {  	v52 =	vshll.u32 v3, $0x3  }
0x74: {  	v3 =	vand.u32 $0x7, v3;
	v4 =	vand.u32 $0xFFFFFFC0, v52  }
0x75: {  	v3 =	vor.u32 v3, v4  }
0x76: {  	v4 =	vperm.xlane v3, v0;
	_ =	sdelay $0x1  }
0x77: {  	v4 =	vadd.s32 v1, v4;
	_ =	sdelay $0x3  }
0x78: {  	s1 =	simm.s32 $0x10100  }
0x79: {  	[tilespmem:s1], [sflag:$0x3] =	stream.indirect_vreg.gather [hbm4b:s4+s2], $0x80, v4, vm0, $0xb8;
	[tilespmem:$0x18100] =	vst v63  }
0x7a: {  	v3 =	vperm.xlane v3, v2  }
0x7b: {  	[tilespmem:s22], [sflag:$0x3] =	stream.indirect_vreg.gather [hbm4b:s5+s2], $0x80, v4, vm0, $0xb8;
	[tilespmem:$0x18100] =	vst v63  }
0x7c: {  	v3 =	vadd.s32 v1, v3  }
0x7d: {  	[tilespmem:s18], [sflag:$0x3] =	stream.indirect_vreg.gather [hbm4b:s6+s2], $0x80, v4, vm0, $0xb8;
	[tilespmem:$0x18100] =	vst v63  }
0x7e: {  	_ = 	snop  }
0x7f: {  	[tilespmem:s19], [sflag:$0x3] =	stream.indirect_vreg.gather [hbm4b:s7+s2], $0x80, v4, vm0, $0xb8;
	[tilespmem:$0x18100] =	vst v63  }
0x80: {  	s3 =	simm.s32 $0x12100  }
0x81: {  	[tilespmem:s3], [sflag:$0x3] =	stream.indirect_vreg.gather [hbm4b:s4+s2], $0x80, v3, vm0, $0xb8;
	[tilespmem:$0x18100] =	vst v63  }
0x82: {  	_ = 	snop  }
0x83: {  	[tilespmem:s10], [sflag:$0x3] =	stream.indirect_vreg.gather [hbm4b:s5+s2], $0x80, v3, vm0, $0xb8;
	[tilespmem:$0x18100] =	vst v63  }
0x84: {  	_ = 	snop  }
0x85: {  	[tilespmem:s11], [sflag:$0x3] =	stream.indirect_vreg.gather [hbm4b:s6+s2], $0x80, v3, vm0, $0xb8;
	[tilespmem:$0x18100] =	vst v63  }
0x86: {  	_ = 	snop  }
0x87: {  	[tilespmem:s12], [sflag:$0x3] =	stream.indirect_vreg.gather [hbm4b:s7+s2], $0x80, v3, vm0, $0xb8;
	[tilespmem:$0x18100] =	vst v63  }
0x88: {  	v3 =	vld [tilespmem:$0x50];
	_ =	sdelay $0x4  }
0x89: {  	v53 =	vshll.u32 v3, $0x3  }
0x8a: {  	v3 =	vand.u32 $0x7, v3;
	v4 =	vand.u32 $0xFFFFFFC0, v53  }
0x8b: {  	v3 =	vor.u32 v3, v4  }
0x8c: {  	v4 =	vperm.xlane v3, v0;
	_ =	sdelay $0x1  }
0x8d: {  	v4 =	vadd.s32 v1, v4;
	_ =	sdelay $0x4  }
0x8e: {  	[tilespmem:s13], [sflag:$0x3] =	stream.indirect_vreg.gather [hbm4b:s4+s2], $0x80, v4, vm0, $0xb8;
	[tilespmem:$0x18100] =	vst v63  }
0x8f: {  	v3 =	vperm.xlane v3, v2  }
0x90: {  	[tilespmem:s14], [sflag:$0x3] =	stream.indirect_vreg.gather [hbm4b:s5+s2], $0x80, v4, vm0, $0xb8;
	[tilespmem:$0x18100] =	vst v63  }
0x91: {  	v3 =	vadd.s32 v1, v3  }
0x92: {  	[tilespmem:s15], [sflag:$0x3] =	stream.indirect_vreg.gather [hbm4b:s6+s2], $0x80, v4, vm0, $0xb8;
	[tilespmem:$0x18100] =	vst v63  }
0x93: {  	_ = 	snop  }
0x94: {  	[tilespmem:s16], [sflag:$0x3] =	stream.indirect_vreg.gather [hbm4b:s7+s2], $0x80, v4, vm0, $0xb8;
	[tilespmem:$0x18100] =	vst v63  }
0x95: {  	_ = 	snop  }
0x96: {  	[tilespmem:s17], [sflag:$0x3] =	stream.indirect_vreg.gather [hbm4b:s4+s2], $0x80, v3, vm0, $0xb8;
	[tilespmem:$0x18100] =	vst v63  }
0x97: {  	_ = 	snop  }
0x98: {  	[tilespmem:s24], [sflag:$0x3] =	stream.indirect_vreg.gather [hbm4b:s5+s2], $0x80, v3, vm0, $0xb8;
	[tilespmem:$0x18100] =	vst v63  }
0x99: {  	_ = 	snop  }
0x9a: {  	[tilespmem:s25], [sflag:$0x3] =	stream.indirect_vreg.gather [hbm4b:s6+s2], $0x80, v3, vm0, $0xb8;
	[tilespmem:$0x18100] =	vst v63  }
0x9b: {  	_ = 	snop  }
0x9c: {  	[tilespmem:s28], [sflag:$0x3] =	stream.indirect_vreg.gather [hbm4b:s7+s2], $0x80, v3, vm0, $0xb8;
	[tilespmem:$0x18100] =	vst v63  }
0x9d: {  	_ =	swait.ge [sflag:s20], $0x8000  }
0x9e: {  	[sflag:s20] =	ssyncset.done $0x0  }
0x9f: {  	s23 =	rddreg [dreg:$0xb];
	[sflag:s20] =	ssyncadd.s32 $0xFFFF8000  }
0xa0: {  	[hbm4b:s23+s2] =	stream.linear.scatter [tilespmem:s26], [sflag:$0x4], $0x8000, $0x38;
	[tilespmem:$0x18100] =	vst v63  }
0xa1: {  	_ =	swait.ge [sflag:s9], $0x8000  }
0xa2: {  	[sflag:s9] =	ssyncset.done $0x0  }
0xa3: {  	[sflag:s9] =	ssyncadd.s32 $0xFFFF8000  }
0xa4: {  	v3 =	vld [tilespmem:$0x60];
	_ =	sdelay $0x4  }
0xa5: {  	v54 =	vshll.u32 v3, $0x3  }
0xa6: {  	v3 =	vand.u32 $0x7, v3;
	v4 =	vand.u32 $0xFFFFFFC0, v54  }
0xa7: {  	v3 =	vor.u32 v3, v4  }
0xa8: {  	v4 =	vperm.xlane v3, v0;
	_ =	sdelay $0x1  }
0xa9: {  	v4 =	vadd.s32 v1, v4;
	_ =	sdelay $0x4  }
0xaa: {  	[tilespmem:s26], [sflag:$0x1] =	stream.indirect_vreg.gather [hbm4b:s4+s2], $0x80, v4, vm0, $0xb8;
	[tilespmem:$0x18100] =	vst v63  }
0xab: {  	s23 =	simm.s32 $0x900;
	v3 =	vperm.xlane v3, v2  }
0xac: {  	[tilespmem:s23], [sflag:$0x1] =	stream.indirect_vreg.gather [hbm4b:s5+s2], $0x80, v4, vm0, $0xb8;
	[tilespmem:$0x18100] =	vst v63  }
0xad: {  	v3 =	vadd.s32 v1, v3;
	s23 =	simm.s32 $0x1100  }
0xae: {  	[tilespmem:s23], [sflag:$0x1] =	stream.indirect_vreg.gather [hbm4b:s6+s2], $0x80, v4, vm0, $0xb8;
	[tilespmem:$0x18100] =	vst v63  }
0xaf: {  	s23 =	simm.s32 $0x1900  }
0xb0: {  	[tilespmem:s23], [sflag:$0x1] =	stream.indirect_vreg.gather [hbm4b:s7+s2], $0x80, v4, vm0, $0xb8;
	[tilespmem:$0x18100] =	vst v63  }
0xb1: {  	s23 =	simm.s32 $0x2100  }
0xb2: {  	[tilespmem:s23], [sflag:$0x1] =	stream.indirect_vreg.gather [hbm4b:s4+s2], $0x80, v3, vm0, $0xb8;
	[tilespmem:$0x18100] =	vst v63  }
0xb3: {  	_ = 	snop  }
0xb4: {  	[tilespmem:s30], [sflag:$0x1] =	stream.indirect_vreg.gather [hbm4b:s5+s2], $0x80, v3, vm0, $0xb8;
	[tilespmem:$0x18100] =	vst v63  }
0xb5: {  	_ = 	snop  }
0xb6: {  	[tilespmem:s31], [sflag:$0x1] =	stream.indirect_vreg.gather [hbm4b:s6+s2], $0x80, v3, vm0, $0xb8;
	[tilespmem:$0x18100] =	vst v63  }
0xb7: {  	s23 =	simm.s32 $0x3900  }
0xb8: {  	[tilespmem:s23], [sflag:$0x1] =	stream.indirect_vreg.gather [hbm4b:s7+s2], $0x80, v3, vm0, $0xb8;
	[tilespmem:$0x18100] =	vst v63  }
0xb9: {  	v3 =	vld [tilespmem:$0x70];
	_ =	sdelay $0x4  }
0xba: {  	v55 =	vshll.u32 v3, $0x3  }
0xbb: {  	v3 =	vand.u32 $0x7, v3;
	v4 =	vand.u32 $0xFFFFFFC0, v55  }
0xbc: {  	v3 =	vor.u32 v3, v4  }
0xbd: {  	v4 =	vperm.xlane v3, v0;
	_ =	sdelay $0x1  }
0xbe: {  	v4 =	vadd.s32 v1, v4;
	_ =	sdelay $0x3  }
0xbf: {  	s23 =	simm.s32 $0x4100  }
0xc0: {  	[tilespmem:s23], [sflag:$0x1] =	stream.indirect_vreg.gather [hbm4b:s4+s2], $0x80, v4, vm0, $0xb8;
	[tilespmem:$0x18100] =	vst v63  }
0xc1: {  	v3 =	vperm.xlane v3, v2;
	s23 =	simm.s32 $0x4900  }
0xc2: {  	[tilespmem:s23], [sflag:$0x1] =	stream.indirect_vreg.gather [hbm4b:s5+s2], $0x80, v4, vm0, $0xb8;
	[tilespmem:$0x18100] =	vst v63  }
0xc3: {  	v3 =	vadd.s32 v1, v3;
	s23 =	simm.s32 $0x5100  }
0xc4: {  	[tilespmem:s23], [sflag:$0x1] =	stream.indirect_vreg.gather [hbm4b:s6+s2], $0x80, v4, vm0, $0xb8;
	[tilespmem:$0x18100] =	vst v63  }
0xc5: {  	s23 =	simm.s32 $0x5900  }
0xc6: {  	[tilespmem:s23], [sflag:$0x1] =	stream.indirect_vreg.gather [hbm4b:s7+s2], $0x80, v4, vm0, $0xb8;
	[tilespmem:$0x18100] =	vst v63  }
0xc7: {  	s23 =	simm.s32 $0x6100  }
0xc8: {  	[tilespmem:s23], [sflag:$0x1] =	stream.indirect_vreg.gather [hbm4b:s4+s2], $0x80, v3, vm0, $0xb8;
	[tilespmem:$0x18100] =	vst v63  }
0xc9: {  	s23 =	simm.s32 $0x6900  }
0xca: {  	[tilespmem:s23], [sflag:$0x1] =	stream.indirect_vreg.gather [hbm4b:s5+s2], $0x80, v3, vm0, $0xb8;
	[tilespmem:$0x18100] =	vst v63  }
0xcb: {  	s23 =	simm.s32 $0x7100  }
0xcc: {  	[tilespmem:s23], [sflag:$0x1] =	stream.indirect_vreg.gather [hbm4b:s6+s2], $0x80, v3, vm0, $0xb8;
	[tilespmem:$0x18100] =	vst v63  }
0xcd: {  	s23 =	simm.s32 $0x7900  }
0xce: {  	[tilespmem:s23], [sflag:$0x1] =	stream.indirect_vreg.gather [hbm4b:s7+s2], $0x80, v3, vm0, $0xb8;
	[tilespmem:$0x18100] =	vst v63  }
0xcf: {  	_ =	swait.ge [sflag:s21], $0x8000  }
0xd0: {  	[sflag:s21] =	ssyncset.done $0x0  }
0xd1: {  	s23 =	rddreg [dreg:$0x4];
	[sflag:s21] =	ssyncadd.s32 $0xFFFF8000  }
0xd2: {  	[hbm4b:s23+s2] =	stream.linear.scatter [tilespmem:s0], [sflag:$0x4], $0x8000, $0x38;
	[tilespmem:$0x18100] =	vst v63  }
0xd3: {  	_ =	swait.ge [sflag:s9], $0x8000  }
0xd4: {  	[sflag:s9] =	ssyncset.done $0x0  }
0xd5: {  	[sflag:s9] =	ssyncadd.s32 $0xFFFF8000  }
0xd6: {  	v3 =	vld [tilespmem:$0x80];
	_ =	sdelay $0x4  }
0xd7: {  	v56 =	vshll.u32 v3, $0x3  }
0xd8: {  	v3 =	vand.u32 $0x7, v3;
	v4 =	vand.u32 $0xFFFFFFC0, v56  }
0xd9: {  	v3 =	vor.u32 v3, v4  }
0xda: {  	v4 =	vperm.xlane v3, v0;
	_ =	sdelay $0x1  }
0xdb: {  	v4 =	vadd.s32 v1, v4;
	_ =	sdelay $0x4  }
0xdc: {  	[tilespmem:s0], [sflag:$0x2] =	stream.indirect_vreg.gather [hbm4b:s4+s2], $0x80, v4, vm0, $0xb8;
	[tilespmem:$0x18100] =	vst v63  }
0xdd: {  	s23 =	simm.s32 $0x8900;
	v3 =	vperm.xlane v3, v2  }
0xde: {  	[tilespmem:s23], [sflag:$0x2] =	stream.indirect_vreg.gather [hbm4b:s5+s2], $0x80, v4, vm0, $0xb8;
	[tilespmem:$0x18100] =	vst v63  }
0xdf: {  	v3 =	vadd.s32 v1, v3;
	s23 =	simm.s32 $0x9100  }
0xe0: {  	[tilespmem:s23], [sflag:$0x2] =	stream.indirect_vreg.gather [hbm4b:s6+s2], $0x80, v4, vm0, $0xb8;
	[tilespmem:$0x18100] =	vst v63  }
0xe1: {  	s23 =	simm.s32 $0x9900  }
0xe2: {  	[tilespmem:s23], [sflag:$0x2] =	stream.indirect_vreg.gather [hbm4b:s7+s2], $0x80, v4, vm0, $0xb8;
	[tilespmem:$0x18100] =	vst v63  }
0xe3: {  	s23 =	simm.s32 $0xA100  }
0xe4: {  	[tilespmem:s23], [sflag:$0x2] =	stream.indirect_vreg.gather [hbm4b:s4+s2], $0x80, v3, vm0, $0xb8;
	[tilespmem:$0x18100] =	vst v63  }
0xe5: {  	s23 =	simm.s32 $0xA900  }
0xe6: {  	[tilespmem:s23], [sflag:$0x2] =	stream.indirect_vreg.gather [hbm4b:s5+s2], $0x80, v3, vm0, $0xb8;
	[tilespmem:$0x18100] =	vst v63  }
0xe7: {  	s23 =	simm.s32 $0xB100  }
0xe8: {  	[tilespmem:s23], [sflag:$0x2] =	stream.indirect_vreg.gather [hbm4b:s6+s2], $0x80, v3, vm0, $0xb8;
	[tilespmem:$0x18100] =	vst v63  }
0xe9: {  	s23 =	simm.s32 $0xB900  }
0xea: {  	[tilespmem:s23], [sflag:$0x2] =	stream.indirect_vreg.gather [hbm4b:s7+s2], $0x80, v3, vm0, $0xb8;
	[tilespmem:$0x18100] =	vst v63  }
0xeb: {  	v3 =	vld [tilespmem:$0x90];
	_ =	sdelay $0x4  }
0xec: {  	v57 =	vshll.u32 v3, $0x3  }
0xed: {  	v3 =	vand.u32 $0x7, v3;
	v4 =	vand.u32 $0xFFFFFFC0, v57  }
0xee: {  	v3 =	vor.u32 v3, v4  }
0xef: {  	v4 =	vperm.xlane v3, v0;
	_ =	sdelay $0x1  }
0xf0: {  	v4 =	vadd.s32 v1, v4;
	_ =	sdelay $0x3  }
0xf1: {  	s23 =	simm.s32 $0xC100  }
0xf2: {  	[tilespmem:s23], [sflag:$0x2] =	stream.indirect_vreg.gather [hbm4b:s4+s2], $0x80, v4, vm0, $0xb8;
	[tilespmem:$0x18100] =	vst v63  }
0xf3: {  	v3 =	vperm.xlane v3, v2;
	s23 =	simm.s32 $0xC900  }
0xf4: {  	[tilespmem:s23], [sflag:$0x2] =	stream.indirect_vreg.gather [hbm4b:s5+s2], $0x80, v4, vm0, $0xb8;
	[tilespmem:$0x18100] =	vst v63  }
0xf5: {  	v3 =	vadd.s32 v1, v3;
	s23 =	simm.s32 $0xD100  }
0xf6: {  	[tilespmem:s23], [sflag:$0x2] =	stream.indirect_vreg.gather [hbm4b:s6+s2], $0x80, v4, vm0, $0xb8;
	[tilespmem:$0x18100] =	vst v63  }
0xf7: {  	s23 =	simm.s32 $0xD900  }
0xf8: {  	[tilespmem:s23], [sflag:$0x2] =	stream.indirect_vreg.gather [hbm4b:s7+s2], $0x80, v4, vm0, $0xb8;
	[tilespmem:$0x18100] =	vst v63  }
0xf9: {  	s23 =	simm.s32 $0xE100  }
0xfa: {  	[tilespmem:s23], [sflag:$0x2] =	stream.indirect_vreg.gather [hbm4b:s4+s2], $0x80, v3, vm0, $0xb8;
	[tilespmem:$0x18100] =	vst v63  }
0xfb: {  	s23 =	simm.s32 $0xE900  }
0xfc: {  	[tilespmem:s23], [sflag:$0x2] =	stream.indirect_vreg.gather [hbm4b:s5+s2], $0x80, v3, vm0, $0xb8;
	[tilespmem:$0x18100] =	vst v63  }
0xfd: {  	s23 =	simm.s32 $0xF100  }
0xfe: {  	[tilespmem:s23], [sflag:$0x2] =	stream.indirect_vreg.gather [hbm4b:s6+s2], $0x80, v3, vm0, $0xb8;
	[tilespmem:$0x18100] =	vst v63  }
0xff: {  	s23 =	simm.s32 $0xF900  }
0x100: {  	[tilespmem:s23], [sflag:$0x2] =	stream.indirect_vreg.gather [hbm4b:s7+s2], $0x80, v3, vm0, $0xb8;
	[tilespmem:$0x18100] =	vst v63  }
0x101: {  	_ =	swait.ge [sflag:s29], $0x8000  }
0x102: {  	[sflag:s29] =	ssyncset.done $0x0  }
0x103: {  	s23 =	rddreg [dreg:$0x5];
	[sflag:s29] =	ssyncadd.s32 $0xFFFF8000  }
0x104: {  	[hbm4b:s23+s2] =	stream.linear.scatter [tilespmem:s1], [sflag:$0x4], $0x8000, $0x38;
	[tilespmem:$0x18100] =	vst v63  }
0x105: {  	_ =	swait.ge [sflag:s9], $0x8000  }
0x106: {  	[sflag:s9] =	ssyncset.done $0x0  }
0x107: {  	[sflag:s9] =	ssyncadd.s32 $0xFFFF8000  }
0x108: {  	v3 =	vld [tilespmem:$0xA0];
	_ =	sdelay $0x4  }
0x109: {  	v58 =	vshll.u32 v3, $0x3  }
0x10a: {  	v3 =	vand.u32 $0x7, v3;
	v4 =	vand.u32 $0xFFFFFFC0, v58  }
0x10b: {  	v3 =	vor.u32 v3, v4  }
0x10c: {  	v4 =	vperm.xlane v3, v0;
	_ =	sdelay $0x1  }
0x10d: {  	v4 =	vadd.s32 v1, v4;
	_ =	sdelay $0x4  }
0x10e: {  	[tilespmem:s1], [sflag:$0x3] =	stream.indirect_vreg.gather [hbm4b:s4+s2], $0x80, v4, vm0, $0xb8;
	[tilespmem:$0x18100] =	vst v63  }
0x10f: {  	v3 =	vperm.xlane v3, v2  }
0x110: {  	[tilespmem:s22], [sflag:$0x3] =	stream.indirect_vreg.gather [hbm4b:s5+s2], $0x80, v4, vm0, $0xb8;
	[tilespmem:$0x18100] =	vst v63  }
0x111: {  	v3 =	vadd.s32 v1, v3  }
0x112: {  	[tilespmem:s18], [sflag:$0x3] =	stream.indirect_vreg.gather [hbm4b:s6+s2], $0x80, v4, vm0, $0xb8;
	[tilespmem:$0x18100] =	vst v63  }
0x113: {  	_ = 	snop  }
0x114: {  	[tilespmem:s19], [sflag:$0x3] =	stream.indirect_vreg.gather [hbm4b:s7+s2], $0x80, v4, vm0, $0xb8;
	[tilespmem:$0x18100] =	vst v63  }
0x115: {  	_ = 	snop  }
0x116: {  	[tilespmem:s3], [sflag:$0x3] =	stream.indirect_vreg.gather [hbm4b:s4+s2], $0x80, v3, vm0, $0xb8;
	[tilespmem:$0x18100] =	vst v63  }
0x117: {  	_ = 	snop  }
0x118: {  	[tilespmem:s10], [sflag:$0x3] =	stream.indirect_vreg.gather [hbm4b:s5+s2], $0x80, v3, vm0, $0xb8;
	[tilespmem:$0x18100] =	vst v63  }
0x119: {  	_ = 	snop  }
0x11a: {  	[tilespmem:s11], [sflag:$0x3] =	stream.indirect_vreg.gather [hbm4b:s6+s2], $0x80, v3, vm0, $0xb8;
	[tilespmem:$0x18100] =	vst v63  }
0x11b: {  	_ = 	snop  }
0x11c: {  	[tilespmem:s12], [sflag:$0x3] =	stream.indirect_vreg.gather [hbm4b:s7+s2], $0x80, v3, vm0, $0xb8;
	[tilespmem:$0x18100] =	vst v63  }
0x11d: {  	v3 =	vld [tilespmem:$0xB0];
	_ =	sdelay $0x4  }
0x11e: {  	v59 =	vshll.u32 v3, $0x3  }
0x11f: {  	v3 =	vand.u32 $0x7, v3;
	v4 =	vand.u32 $0xFFFFFFC0, v59  }
0x120: {  	v3 =	vor.u32 v3, v4  }
0x121: {  	v4 =	vperm.xlane v3, v0;
	_ =	sdelay $0x1  }
0x122: {  	v4 =	vadd.s32 v1, v4;
	_ =	sdelay $0x4  }
0x123: {  	[tilespmem:s13], [sflag:$0x3] =	stream.indirect_vreg.gather [hbm4b:s4+s2], $0x80, v4, vm0, $0xb8;
	[tilespmem:$0x18100] =	vst v63  }
0x124: {  	v3 =	vperm.xlane v3, v2  }
0x125: {  	[tilespmem:s14], [sflag:$0x3] =	stream.indirect_vreg.gather [hbm4b:s5+s2], $0x80, v4, vm0, $0xb8;
	[tilespmem:$0x18100] =	vst v63  }
0x126: {  	v3 =	vadd.s32 v1, v3  }
0x127: {  	[tilespmem:s15], [sflag:$0x3] =	stream.indirect_vreg.gather [hbm4b:s6+s2], $0x80, v4, vm0, $0xb8;
	[tilespmem:$0x18100] =	vst v63  }
0x128: {  	_ = 	snop  }
0x129: {  	[tilespmem:s16], [sflag:$0x3] =	stream.indirect_vreg.gather [hbm4b:s7+s2], $0x80, v4, vm0, $0xb8;
	[tilespmem:$0x18100] =	vst v63  }
0x12a: {  	_ = 	snop  }
0x12b: {  	[tilespmem:s17], [sflag:$0x3] =	stream.indirect_vreg.gather [hbm4b:s4+s2], $0x80, v3, vm0, $0xb8;
	[tilespmem:$0x18100] =	vst v63  }
0x12c: {  	_ = 	snop  }
0x12d: {  	[tilespmem:s24], [sflag:$0x3] =	stream.indirect_vreg.gather [hbm4b:s5+s2], $0x80, v3, vm0, $0xb8;
	[tilespmem:$0x18100] =	vst v63  }
0x12e: {  	_ = 	snop  }
0x12f: {  	[tilespmem:s25], [sflag:$0x3] =	stream.indirect_vreg.gather [hbm4b:s6+s2], $0x80, v3, vm0, $0xb8;
	[tilespmem:$0x18100] =	vst v63  }
0x130: {  	_ = 	snop  }
0x131: {  	[tilespmem:s28], [sflag:$0x3] =	stream.indirect_vreg.gather [hbm4b:s7+s2], $0x80, v3, vm0, $0xb8;
	[tilespmem:$0x18100] =	vst v63  }
0x132: {  	_ =	swait.ge [sflag:s20], $0x8000  }
0x133: {  	[sflag:s20] =	ssyncset.done $0x0  }
0x134: {  	s3 =	rddreg [dreg:$0x6];
	[sflag:s20] =	ssyncadd.s32 $0xFFFF8000  }
0x135: {  	[hbm4b:s3+s2] =	stream.linear.scatter [tilespmem:s26], [sflag:$0x4], $0x8000, $0x38;
	[tilespmem:$0x18100] =	vst v63  }
0x136: {  	_ =	swait.ge [sflag:s9], $0x8000  }
0x137: {  	[sflag:s9] =	ssyncset.done $0x0  }
0x138: {  	[sflag:s9] =	ssyncadd.s32 $0xFFFF8000  }
0x139: {  	v3 =	vld [tilespmem:$0xC0];
	_ =	sdelay $0x4  }
0x13a: {  	v60 =	vshll.u32 v3, $0x3  }
0x13b: {  	v3 =	vand.u32 $0x7, v3;
	v4 =	vand.u32 $0xFFFFFFC0, v60  }
0x13c: {  	v3 =	vor.u32 v3, v4  }
0x13d: {  	v4 =	vperm.xlane v3, v0;
	_ =	sdelay $0x1  }
0x13e: {  	v4 =	vadd.s32 v1, v4;
	_ =	sdelay $0x4  }
0x13f: {  	[tilespmem:s26], [sflag:$0x1] =	stream.indirect_vreg.gather [hbm4b:s4+s2], $0x80, v4, vm0, $0xb8;
	[tilespmem:$0x18100] =	vst v63  }
0x140: {  	s23 =	simm.s32 $0x900;
	v3 =	vperm.xlane v3, v2  }
0x141: {  	[tilespmem:s23], [sflag:$0x1] =	stream.indirect_vreg.gather [hbm4b:s5+s2], $0x80, v4, vm0, $0xb8;
	[tilespmem:$0x18100] =	vst v63  }
0x142: {  	v3 =	vadd.s32 v1, v3;
	s23 =	simm.s32 $0x1100  }
0x143: {  	[tilespmem:s23], [sflag:$0x1] =	stream.indirect_vreg.gather [hbm4b:s6+s2], $0x80, v4, vm0, $0xb8;
	[tilespmem:$0x18100] =	vst v63  }
0x144: {  	s23 =	simm.s32 $0x1900  }
0x145: {  	[tilespmem:s23], [sflag:$0x1] =	stream.indirect_vreg.gather [hbm4b:s7+s2], $0x80, v4, vm0, $0xb8;
	[tilespmem:$0x18100] =	vst v63  }
0x146: {  	s23 =	simm.s32 $0x2100  }
0x147: {  	[tilespmem:s23], [sflag:$0x1] =	stream.indirect_vreg.gather [hbm4b:s4+s2], $0x80, v3, vm0, $0xb8;
	[tilespmem:$0x18100] =	vst v63  }
0x148: {  	_ = 	snop  }
0x149: {  	[tilespmem:s30], [sflag:$0x1] =	stream.indirect_vreg.gather [hbm4b:s5+s2], $0x80, v3, vm0, $0xb8;
	[tilespmem:$0x18100] =	vst v63  }
0x14a: {  	_ = 	snop  }
0x14b: {  	[tilespmem:s31], [sflag:$0x1] =	stream.indirect_vreg.gather [hbm4b:s6+s2], $0x80, v3, vm0, $0xb8;
	[tilespmem:$0x18100] =	vst v63  }
0x14c: {  	s23 =	simm.s32 $0x3900  }
0x14d: {  	[tilespmem:s23], [sflag:$0x1] =	stream.indirect_vreg.gather [hbm4b:s7+s2], $0x80, v3, vm0, $0xb8;
	[tilespmem:$0x18100] =	vst v63  }
0x14e: {  	v3 =	vld [tilespmem:$0xD0];
	_ =	sdelay $0x4  }
0x14f: {  	v61 =	vshll.u32 v3, $0x3  }
0x150: {  	v3 =	vand.u32 $0x7, v3;
	v4 =	vand.u32 $0xFFFFFFC0, v61  }
0x151: {  	v3 =	vor.u32 v3, v4  }
0x152: {  	v4 =	vperm.xlane v3, v0;
	_ =	sdelay $0x1  }
0x153: {  	v4 =	vadd.s32 v1, v4;
	_ =	sdelay $0x3  }
0x154: {  	s23 =	simm.s32 $0x4100  }
0x155: {  	[tilespmem:s23], [sflag:$0x1] =	stream.indirect_vreg.gather [hbm4b:s4+s2], $0x80, v4, vm0, $0xb8;
	[tilespmem:$0x18100] =	vst v63  }
0x156: {  	v3 =	vperm.xlane v3, v2;
	s23 =	simm.s32 $0x4900  }
0x157: {  	[tilespmem:s23], [sflag:$0x1] =	stream.indirect_vreg.gather [hbm4b:s5+s2], $0x80, v4, vm0, $0xb8;
	[tilespmem:$0x18100] =	vst v63  }
0x158: {  	v3 =	vadd.s32 v1, v3;
	s23 =	simm.s32 $0x5100  }
0x159: {  	[tilespmem:s23], [sflag:$0x1] =	stream.indirect_vreg.gather [hbm4b:s6+s2], $0x80, v4, vm0, $0xb8;
	[tilespmem:$0x18100] =	vst v63  }
0x15a: {  	s23 =	simm.s32 $0x5900  }
0x15b: {  	[tilespmem:s23], [sflag:$0x1] =	stream.indirect_vreg.gather [hbm4b:s7+s2], $0x80, v4, vm0, $0xb8;
	[tilespmem:$0x18100] =	vst v63  }
0x15c: {  	s23 =	simm.s32 $0x6100  }
0x15d: {  	[tilespmem:s23], [sflag:$0x1] =	stream.indirect_vreg.gather [hbm4b:s4+s2], $0x80, v3, vm0, $0xb8;
	[tilespmem:$0x18100] =	vst v63  }
0x15e: {  	s23 =	simm.s32 $0x6900  }
0x15f: {  	[tilespmem:s23], [sflag:$0x1] =	stream.indirect_vreg.gather [hbm4b:s5+s2], $0x80, v3, vm0, $0xb8;
	[tilespmem:$0x18100] =	vst v63  }
0x160: {  	s23 =	simm.s32 $0x7100  }
0x161: {  	[tilespmem:s23], [sflag:$0x1] =	stream.indirect_vreg.gather [hbm4b:s6+s2], $0x80, v3, vm0, $0xb8;
	[tilespmem:$0x18100] =	vst v63  }
0x162: {  	s23 =	simm.s32 $0x7900  }
0x163: {  	[tilespmem:s23], [sflag:$0x1] =	stream.indirect_vreg.gather [hbm4b:s7+s2], $0x80, v3, vm0, $0xb8;
	[tilespmem:$0x18100] =	vst v63  }
0x164: {  	_ =	swait.ge [sflag:s21], $0x8000  }
0x165: {  	[sflag:s21] =	ssyncset.done $0x0  }
0x166: {  	s3 =	rddreg [dreg:$0x7];
	[sflag:s21] =	ssyncadd.s32 $0xFFFF8000  }
0x167: {  	[hbm4b:s3+s2] =	stream.linear.scatter [tilespmem:s0], [sflag:$0x4], $0x8000, $0x38;
	[tilespmem:$0x18100] =	vst v63  }
0x168: {  	_ =	swait.ge [sflag:s9], $0x8000  }
0x169: {  	[sflag:s9] =	ssyncset.done $0x0  }
0x16a: {  	[sflag:s9] =	ssyncadd.s32 $0xFFFF8000  }
0x16b: {  	v3 =	vld [tilespmem:$0xE0];
	_ =	sdelay $0x4  }
0x16c: {  	v62 =	vshll.u32 v3, $0x3  }
0x16d: {  	v3 =	vand.u32 $0x7, v3;
	v4 =	vand.u32 $0xFFFFFFC0, v62  }
0x16e: {  	v3 =	vor.u32 v3, v4  }
0x16f: {  	v4 =	vperm.xlane v3, v0;
	_ =	sdelay $0x1  }
0x170: {  	v4 =	vadd.s32 v1, v4;
	_ =	sdelay $0x4  }
0x171: {  	[tilespmem:s0], [sflag:$0x2] =	stream.indirect_vreg.gather [hbm4b:s4+s2], $0x80, v4, vm0, $0xb8;
	[tilespmem:$0x18100] =	vst v63  }
0x172: {  	s23 =	simm.s32 $0x8900;
	v3 =	vperm.xlane v3, v2  }
0x173: {  	[tilespmem:s23], [sflag:$0x2] =	stream.indirect_vreg.gather [hbm4b:s5+s2], $0x80, v4, vm0, $0xb8;
	[tilespmem:$0x18100] =	vst v63  }
0x174: {  	v3 =	vadd.s32 v1, v3;
	s23 =	simm.s32 $0x9100  }
0x175: {  	[tilespmem:s23], [sflag:$0x2] =	stream.indirect_vreg.gather [hbm4b:s6+s2], $0x80, v4, vm0, $0xb8;
	[tilespmem:$0x18100] =	vst v63  }
0x176: {  	s23 =	simm.s32 $0x9900  }
0x177: {  	[tilespmem:s23], [sflag:$0x2] =	stream.indirect_vreg.gather [hbm4b:s7+s2], $0x80, v4, vm0, $0xb8;
	[tilespmem:$0x18100] =	vst v63  }
0x178: {  	s23 =	simm.s32 $0xA100  }
0x179: {  	[tilespmem:s23], [sflag:$0x2] =	stream.indirect_vreg.gather [hbm4b:s4+s2], $0x80, v3, vm0, $0xb8;
	[tilespmem:$0x18100] =	vst v63  }
0x17a: {  	s23 =	simm.s32 $0xA900  }
0x17b: {  	[tilespmem:s23], [sflag:$0x2] =	stream.indirect_vreg.gather [hbm4b:s5+s2], $0x80, v3, vm0, $0xb8;
	[tilespmem:$0x18100] =	vst v63  }
0x17c: {  	s23 =	simm.s32 $0xB100  }
0x17d: {  	[tilespmem:s23], [sflag:$0x2] =	stream.indirect_vreg.gather [hbm4b:s6+s2], $0x80, v3, vm0, $0xb8;
	[tilespmem:$0x18100] =	vst v63  }
0x17e: {  	s23 =	simm.s32 $0xB900  }
0x17f: {  	[tilespmem:s23], [sflag:$0x2] =	stream.indirect_vreg.gather [hbm4b:s7+s2], $0x80, v3, vm0, $0xb8;
	[tilespmem:$0x18100] =	vst v63  }
0x180: {  	v3 =	vld [tilespmem:$0xF0];
	_ =	sdelay $0x4  }
0x181: {  	v63 =	vshll.u32 v3, $0x3  }
0x182: {  	v3 =	vand.u32 $0x7, v3;
	v4 =	vand.u32 $0xFFFFFFC0, v63  }
0x183: {  	v3 =	vor.u32 v3, v4  }
0x184: {  	v4 =	vperm.xlane v3, v0;
	_ =	sdelay $0x1  }
0x185: {  	v4 =	vadd.s32 v1, v4;
	_ =	sdelay $0x3  }
0x186: {  	s23 =	simm.s32 $0xC100  }
0x187: {  	[tilespmem:s23], [sflag:$0x2] =	stream.indirect_vreg.gather [hbm4b:s4+s2], $0x80, v4, vm0, $0xb8;
	[tilespmem:$0x18100] =	vst v63  }
0x188: {  	v3 =	vperm.xlane v3, v2;
	s23 =	simm.s32 $0xC900  }
0x189: {  	[tilespmem:s23], [sflag:$0x2] =	stream.indirect_vreg.gather [hbm4b:s5+s2], $0x80, v4, vm0, $0xb8;
	[tilespmem:$0x18100] =	vst v63  }
0x18a: {  	v3 =	vadd.s32 v1, v3;
	s23 =	simm.s32 $0xD100  }
0x18b: {  	[tilespmem:s23], [sflag:$0x2] =	stream.indirect_vreg.gather [hbm4b:s6+s2], $0x80, v4, vm0, $0xb8;
	[tilespmem:$0x18100] =	vst v63  }
0x18c: {  	s23 =	simm.s32 $0xD900  }
0x18d: {  	[tilespmem:s23], [sflag:$0x2] =	stream.indirect_vreg.gather [hbm4b:s7+s2], $0x80, v4, vm0, $0xb8;
	[tilespmem:$0x18100] =	vst v63  }
0x18e: {  	s23 =	simm.s32 $0xE100  }
0x18f: {  	[tilespmem:s23], [sflag:$0x2] =	stream.indirect_vreg.gather [hbm4b:s4+s2], $0x80, v3, vm0, $0xb8;
	[tilespmem:$0x18100] =	vst v63  }
0x190: {  	s23 =	simm.s32 $0xE900  }
0x191: {  	[tilespmem:s23], [sflag:$0x2] =	stream.indirect_vreg.gather [hbm4b:s5+s2], $0x80, v3, vm0, $0xb8;
	[tilespmem:$0x18100] =	vst v63  }
0x192: {  	s23 =	simm.s32 $0xF100  }
0x193: {  	[tilespmem:s23], [sflag:$0x2] =	stream.indirect_vreg.gather [hbm4b:s6+s2], $0x80, v3, vm0, $0xb8;
	[tilespmem:$0x18100] =	vst v63  }
0x194: {  	s23 =	simm.s32 $0xF900  }
0x195: {  	[tilespmem:s23], [sflag:$0x2] =	stream.indirect_vreg.gather [hbm4b:s7+s2], $0x80, v3, vm0, $0xb8;
	[tilespmem:$0x18100] =	vst v63  }
0x196: {  	_ =	swait.ge [sflag:s29], $0x8000  }
0x197: {  	[sflag:s29] =	ssyncset.done $0x0  }
0x198: {  	s3 =	rddreg [dreg:$0x8];
	[sflag:s29] =	ssyncadd.s32 $0xFFFF8000  }
0x199: {  	[hbm4b:s3+s2] =	stream.linear.scatter [tilespmem:s1], [sflag:$0x4], $0x8000, $0x38;
	[tilespmem:$0x18100] =	vst v63  }
0x19a: {  	_ =	swait.ge [sflag:s9], $0x8000  }
0x19b: {  	[sflag:s9] =	ssyncset.done $0x0  }
0x19c: {  	[sflag:s9] =	ssyncadd.s32 $0xFFFF8000  }
0x19d: {  	_ =	swait.ge [sflag:s20], $0x8000  }
0x19e: {  	[sflag:s20] =	ssyncset.done $0x0  }
0x19f: {  	s1 =	rddreg [dreg:$0x9];
	[sflag:s20] =	ssyncadd.s32 $0xFFFF8000  }
0x1a0: {  	[hbm4b:s1+s2] =	stream.linear.scatter [tilespmem:s26], [sflag:$0x4], $0x8000, $0x38;
	[tilespmem:$0x18100] =	vst v63  }
0x1a1: {  	_ =	swait.ge [sflag:s9], $0x8000  }
0x1a2: {  	[sflag:s9] =	ssyncset.done $0x0  }
0x1a3: {  	[sflag:s9] =	ssyncadd.s32 $0xFFFF8000  }
0x1a4: {  	_ =	swait.ge [sflag:s21], $0x8000  }
0x1a5: {  	p0 =	sne.s32 s8, $0x1;
	[sflag:s21] =	ssyncset.done $0x0  }
.Ltmp0:
0x1a6: {  	s3 =	rddreg [dreg:$0xa];
	[sflag:s21] =	ssyncadd.s32 $0xFFFF8000;
	(pc) =	sbr.rel @p0 .LBB2_1-.Ltmp0, $4  }
0x1a7: {  	[hbm4b:s3+s2] =	stream.linear.scatter [tilespmem:s0], [sflag:$0x4], $0x8000, $0x38;
	[tilespmem:$0x18100] =	vst v63  }
0x1a8: {  	_ =	swait.ge [sflag:s9], $0x8000  }
0x1a9: {  	[sflag:s9] =	ssyncset.done $0x0  }
0x1aa: {  	s8 =	sadd.s32 $0xFFFFFFFF, s8;
	[sflag:s9] =	ssyncadd.s32 $0xFFFF8000  }
0x1ab: {  	_ =	sfence.sel $0x180000  }
0x1ac: {  	[bflag:$0x0] =	sbarrier.arrive $0xFFFF  }
0x1ad: {  	_ =	strace $0x9000004A  }
0x1ae: {  	s0 =	stileid.u32;
	[bflag:$0x2] =	sbarrier.arrive $0xFFFF  }
0x1af: {  	p0 =	sne.s32 s0, $0x0;
	s0 =	rddreg [dreg:$0x2]  }
0x1b0: {  	s0 =	sadd.s32 @!p0 $0x100000, s0  }
0x1b1: {  	[sflag:s0] =	ssyncadd.tile.s32 @!p0 $0x1;
	_ =	shalt  }
.Lfunc_end2:
_tile_overlayer_lowered:
.L_overlay_start_2:
0x1b2: {  	(tag) =	ssettag $0x2  }
0x1b3: {  	s0 =	rddreg [dreg:$0x0];
	s2 =	stileid.u32  }
0x1b4: {  	s1 =	rddreg [dreg:$0x1];
	p0 =	sne.s32 s2, $0x0  }
0x1b5: {  	s3 =	rddreg [dreg:$0x2];
	[bflag:$0x3] =	sbarrier.arrive $0xFFFF;
	s2 =	simm.s32 @!p0 $0x1C04  }
0x1b6: {  	[timem:s3], [sflag:s2] =	dma.local @!p0 [hbm:s0], s1  }
0x1b7: {  	s0 =	simm.s32 @!p0 $0x4  }
0x1b8: {  	_ =	swait.ge @!p0 [sflag:s0], s1  }
0x1b9: {  	s1 =	ssub.s32 @!p0 $0x0, s1;
	[sflag:s0] =	ssyncset.done @!p0 $0x0  }
0x1ba: {  	[sflag:s0] =	ssyncadd.s32 @!p0 s1  }
0x1bb: {  	[bflag:$0x3] =	sbarrier.arrive $0xFFFF  }
0x1bc: {  	_ =	shalt  }

</sc_bundles>
